<compile_context>
chip_gen: v7x
topology: tpu7x:2x2x1
jax: 0.10.2.dev20260603
libtpu: 0.0.44.dev20260713+nightly
codegen_flags: <defaults>
</compile_context>

<pallas_src>
import functools
import jax
import jax.numpy as jnp
from jax import lax
from jax.experimental import pallas as pl
from jax.experimental.pallas import tpu as pltpu
from jax.experimental.pallas import tpu_sc as plsc

_NUM_RAYS = 1024
_TR = 512
_CH = 32


def _sc_li(rows_total):
    info = plsc.get_sparse_core_info()
    nc, ns = info.num_cores, info.num_subcores
    nw = nc * ns
    rows_w = rows_total // nw
    nchunks = rows_w // _CH
    mesh = plsc.VectorSubcoreMesh(core_axis_name="c", subcore_axis_name="s")

    @functools.partial(
        pl.kernel, mesh=mesh,
        out_type=jax.ShapeDtypeStruct((rows_total, _NUM_RAYS), jnp.float32),
        scratch_types=[
            pltpu.VMEM((rows_w,), jnp.int32),
            pltpu.VMEM((_CH, _NUM_RAYS), jnp.float32),
            pltpu.VMEM((_CH, _NUM_RAYS), jnp.float32),
            pltpu.SemaphoreType.DMA,
            pltpu.SemaphoreType.DMA,
            pltpu.SemaphoreType.DMA,
            pltpu.SemaphoreType.DMA,
        ],
    )
    def k(idx_hbm, tblrow_hbm, out_hbm, idx_v, buf0, buf1, g0, g1, s0, s1):
        wid = lax.axis_index("s") * nc + lax.axis_index("c")
        r0 = wid * rows_w
        pltpu.sync_copy(idx_hbm.at[pl.ds(r0, rows_w)], idx_v)
        bufs = (buf0, buf1)
        gsems = (g0, g1)
        ssems = (s0, s1)
        pending = [None, None]
        for ci in range(nchunks):
            p = ci % 2
            if pending[p] is not None:
                pending[p].wait()
            pltpu.async_copy(
                tblrow_hbm.at[idx_v.at[pl.ds(ci * _CH, _CH)]],
                bufs[p], gsems[p]).wait()
            pending[p] = pltpu.async_copy(
                bufs[p], out_hbm.at[pl.ds(r0 + ci * _CH, _CH)], ssems[p])
        for p in range(2):
            if pending[p] is not None:
                pending[p].wait()

    return k


def _tc_body(idx_ref, tbl_ref, out_ld_ref):
    tr = idx_ref.shape[-1]
    nl = tbl_ref.shape[0]
    nb = pl.num_programs(0) // 3
    c = pl.program_id(0) // nb
    idx = idx_ref[0, 0, :]
    onehot = (jax.lax.broadcasted_iota(jnp.int32, (tr, nl), 1) == idx[:, None])
    vals = jax.lax.dot_general(
        onehot.astype(jnp.float32), tbl_ref[...],
        (((1,), (0,)), ((), ())), preferred_element_type=jnp.float32)
    x = vals[:, 0:1]
    y = vals[:, 1:2]
    z = -jnp.abs(vals[:, 2:3])
    n = jnp.maximum(jnp.sqrt(x * x + y * y + z * z), 1e-12)
    col = jnp.where(c == 0, x, jnp.where(c == 1, y, z)) / n
    out_ld_ref[...] = jnp.broadcast_to(col, (tr, _NUM_RAYS))


def kernel(idx, light_direction_xy, light_direction_z, light_intensity):
    b = idx.shape[0]
    nl = light_intensity.shape[0]
    rows_total = 3 * b
    tbl_li = jnp.broadcast_to(jnp.abs(light_intensity), (nl, _NUM_RAYS))
    idx_ext = jnp.concatenate([idx, idx, idx])
    out_li = _sc_li(rows_total)(idx_ext, tbl_li)

    tbl = jnp.concatenate(
        [light_direction_xy, light_direction_z, light_intensity], axis=1)
    nb = b // _TR
    idx3 = idx.reshape(nb, 1, _TR)
    out_ld = pl.pallas_call(
        _tc_body,
        grid=(3 * nb,),
        in_specs=[
            pl.BlockSpec((1, 1, _TR), lambda i, nb=nb: (jax.lax.rem(i, nb), 0, 0)),
            pl.BlockSpec(tbl.shape, lambda i: (0, 0)),
        ],
        out_specs=pl.BlockSpec((_TR, _NUM_RAYS), lambda i: (i, 0)),
        out_shape=jax.ShapeDtypeStruct((rows_total, _NUM_RAYS), jnp.float32),
    )(idx3, tbl)
    out_ld = out_ld.reshape(3, b * _NUM_RAYS).T
    out_li = out_li.reshape(3, b * _NUM_RAYS).T
    return (out_ld, out_li)

# --- scband reference (transcript-rebuilt; emitter-appended) ---
"""Pipeline reference for scband-light-model-30863634989303 (READ-ONLY COPY).

The authoritative reference and input builder live on the scoring server;
editing this copy changes nothing except your own understanding.
"""

import jax, jax.numpy as jnp
import numpy as np

NUM_RAYS = 1024
NUM_LIGHTS = 32
BATCH = 4096


def setup_inputs(seed: int = 0) -> dict:
    key = jax.random.key(seed)
    k1, k2, k3, k4 = jax.random.split(key, 4)
    idx = jax.random.randint(k1, (BATCH,), 0, NUM_LIGHTS, dtype=jnp.int32)
    light_direction_xy = jax.random.normal(k2, (NUM_LIGHTS, 2), dtype=jnp.float32)
    light_direction_z = jax.random.normal(k3, (NUM_LIGHTS, 1), dtype=jnp.float32)
    light_intensity = jax.random.uniform(k4, (NUM_LIGHTS, 1), dtype=jnp.float32) + 0.5
    return {
        "idx": idx,
        "light_direction_xy": light_direction_xy,
        "light_direction_z": light_direction_z,
        "light_intensity": light_intensity,
    }


def reference(idx, light_direction_xy, light_direction_z, light_intensity):
    num_rays = NUM_RAYS
    # gather per-index light params (embedding-style lookup)
    ld_xy = jnp.take(light_direction_xy, idx, axis=0)          # [B, 2]
    ld_z = -jnp.abs(jnp.take(light_direction_z, idx, axis=0))  # [B, 1]
    out_ld = jnp.concatenate([ld_xy, ld_z], axis=-1)           # [B, 3]
    # F.normalize(p=2, dim=-1, eps=1e-12)
    n = jnp.linalg.norm(out_ld, ord=2, axis=-1, keepdims=True)
    out_ld = out_ld / jnp.maximum(n, 1e-12)
    B = out_ld.shape[0]
    out_ld = jnp.broadcast_to(out_ld[:, None, :], (B, num_rays, 3)).reshape(-1, 3)
    out_li = jnp.abs(jnp.take(light_intensity, idx, axis=0))[:, None, :]  # [B, 1, 1]
    out_li = jnp.broadcast_to(out_li, (B, num_rays, 3)).reshape(-1, 3)
    return (out_ld, out_li)

if __name__ == "__main__":
    import jax
    _d = setup_inputs()
    print(jax.jit(kernel)(*tuple(_d.values())))

</pallas_src>

<mosaic_0001>
#map = affine_map<(d0, d1) -> (0)>
#map1 = affine_map<(d0, d1) -> (0, 0)>
module attributes {stable_mosaic.version = 14 : i64} {
  func.func @k(%arg0: i32, %arg1: i32, %arg2: memref<12288xi32, #tpu.memory_space<hbm>>, %arg3: memref<32x1024xf32, #tpu.memory_space<hbm>>, %arg4: memref<12288x1024xf32, #tpu.memory_space<hbm>>, %arg5: memref<384xi32, #tpu.memory_space<vmem>>, %arg6: memref<32x1024xf32, #tpu.memory_space<vmem>>, %arg7: memref<32x1024xf32, #tpu.memory_space<vmem>>, %arg8: memref<!tpu.dma_semaphore, #tpu.memory_space<semaphore_mem>>, %arg9: memref<!tpu.dma_semaphore, #tpu.memory_space<semaphore_mem>>, %arg10: memref<!tpu.dma_semaphore, #tpu.memory_space<semaphore_mem>>, %arg11: memref<!tpu.dma_semaphore, #tpu.memory_space<semaphore_mem>>) attributes {dimension_semantics = [#tpu.dimension_semantics<core_parallel>, #tpu.dimension_semantics<subcore_parallel>], iteration_bounds = array<i64: 2, 16>, scalar_prefetch = 0 : i64, scratch_operands = 7 : i64, tpu.core_type = #tpu.core_type<sc_vector_subcore>, window_params = [{transform_indices = #map}, {transform_indices = #map1}, {transform_indices = #map1}]} {
    %mul3A = arith.constant 2 : i32
    %mul3A_0 = arith.muli %arg1, %mul3A : i32
    %add3A = arith.addi %mul3A_0, %arg0 : i32
    %mul3A_1 = arith.constant 384 : i32
    %mul3A_2 = arith.muli %add3A, %mul3A_1 : i32
    "tpu.region"() ({
      %run_scoped3A = tpu.sem_alloc : memref<!tpu.dma_semaphore, #tpu.memory_space<semaphore_mem>>
      %dma_start3A_241 = tpu.memref_slice %arg2[%mul3A_2] : memref<12288xi32, #tpu.memory_space<hbm>> -> memref<384xi32, #tpu.memory_space<hbm>>
      %dma_start3A_242 = tpu.memref_slice %arg2[%mul3A_2] : memref<12288xi32, #tpu.memory_space<hbm>> -> memref<384xi32, #tpu.memory_space<hbm>>
      tpu.enqueue_dma source(%dma_start3A_242 : memref<384xi32, #tpu.memory_space<hbm>>) target(%arg5 : memref<384xi32, #tpu.memory_space<vmem>>) target_semaphore(%run_scoped3A : memref<!tpu.dma_semaphore, #tpu.memory_space<semaphore_mem>>)
      %dma_wait3A_243 = tpu.memref_slice %arg2[%mul3A_2] : memref<12288xi32, #tpu.memory_space<hbm>> -> memref<384xi32, #tpu.memory_space<hbm>>
      %dma_wait3A_244 = tpu.memref_slice %arg2[%mul3A_2] : memref<12288xi32, #tpu.memory_space<hbm>> -> memref<384xi32, #tpu.memory_space<hbm>>
      tpu.wait_dma2 semaphore(%run_scoped3A : memref<!tpu.dma_semaphore, #tpu.memory_space<semaphore_mem>>) src(%dma_wait3A_244 : memref<384xi32, #tpu.memory_space<hbm>>) dst(%arg5 : memref<384xi32, #tpu.memory_space<vmem>>)
      tpu.yield
    }) : () -> ()
    %dma_start3A = arith.constant 0 : i32
    %dma_start3A_3 = tpu.memref_slice %arg5[%dma_start3A] : memref<384xi32, #tpu.memory_space<vmem>> -> memref<32xi32, #tpu.memory_space<vmem>>
    %dma_start3A_4 = arith.constant 0 : i32
    %dma_start3A_5 = arith.constant 0 : i32
    %dma_start3A_6 = tpu.memref_slice %arg3[%dma_start3A_4, %dma_start3A_5] : memref<32x1024xf32, #tpu.memory_space<hbm>> -> memref<32x1024xf32, #tpu.memory_space<hbm>>
    tpu.enqueue_indirect_dma source(%dma_start3A_6 : memref<32x1024xf32, #tpu.memory_space<hbm>>) target(%arg6 : memref<32x1024xf32, #tpu.memory_space<vmem>>) offsets(%dma_start3A_3 : memref<32xi32, #tpu.memory_space<vmem>>) semaphore(%arg8 : memref<!tpu.dma_semaphore, #tpu.memory_space<semaphore_mem>>)
    %dma_wait3A = arith.constant 0 : i32
    %dma_wait3A_7 = tpu.memref_slice %arg5[%dma_wait3A] : memref<384xi32, #tpu.memory_space<vmem>> -> memref<32xi32, #tpu.memory_space<vmem>>
    %dma_wait3A_8 = arith.constant 0 : i32
    %dma_wait3A_9 = arith.constant 0 : i32
    %dma_wait3A_10 = tpu.memref_slice %arg3[%dma_wait3A_8, %dma_wait3A_9] : memref<32x1024xf32, #tpu.memory_space<hbm>> -> memref<32x1024xf32, #tpu.memory_space<hbm>>
    tpu.wait_indirect_dma semaphore(%arg8 : memref<!tpu.dma_semaphore, #tpu.memory_space<semaphore_mem>>) src(%dma_wait3A_10 : memref<32x1024xf32, #tpu.memory_space<hbm>>) dst(%arg6 : memref<32x1024xf32, #tpu.memory_space<vmem>>)
    %add3A_11 = arith.constant 0 : i32
    %add3A_12 = arith.addi %mul3A_2, %add3A_11 : i32
    %dma_start3A_13 = arith.constant 0 : i32
    %dma_start3A_14 = tpu.memref_slice %arg4[%add3A_12, %dma_start3A_13] : memref<12288x1024xf32, #tpu.memory_space<hbm>> -> memref<32x1024xf32, #tpu.memory_space<hbm>>
    %dma_start3A_15 = arith.constant 0 : i32
    %dma_start3A_16 = tpu.memref_slice %arg4[%add3A_12, %dma_start3A_15] : memref<12288x1024xf32, #tpu.memory_space<hbm>> -> memref<32x1024xf32, #tpu.memory_space<hbm>>
    tpu.enqueue_dma source(%arg6 : memref<32x1024xf32, #tpu.memory_space<vmem>>) target(%dma_start3A_16 : memref<32x1024xf32, #tpu.memory_space<hbm>>) target_semaphore(%arg10 : memref<!tpu.dma_semaphore, #tpu.memory_space<semaphore_mem>>)
    %dma_start3A_17 = arith.constant 32 : i32
    %dma_start3A_18 = tpu.memref_slice %arg5[%dma_start3A_17] : memref<384xi32, #tpu.memory_space<vmem>> -> memref<32xi32, #tpu.memory_space<vmem>>
    %dma_start3A_19 = arith.constant 0 : i32
    %dma_start3A_20 = arith.constant 0 : i32
    %dma_start3A_21 = tpu.memref_slice %arg3[%dma_start3A_19, %dma_start3A_20] : memref<32x1024xf32, #tpu.memory_space<hbm>> -> memref<32x1024xf32, #tpu.memory_space<hbm>>
    tpu.enqueue_indirect_dma source(%dma_start3A_21 : memref<32x1024xf32, #tpu.memory_space<hbm>>) target(%arg7 : memref<32x1024xf32, #tpu.memory_space<vmem>>) offsets(%dma_start3A_18 : memref<32xi32, #tpu.memory_space<vmem>>) semaphore(%arg9 : memref<!tpu.dma_semaphore, #tpu.memory_space<semaphore_mem>>)
    %dma_wait3A_22 = arith.constant 32 : i32
    %dma_wait3A_23 = tpu.memref_slice %arg5[%dma_wait3A_22] : memref<384xi32, #tpu.memory_space<vmem>> -> memref<32xi32, #tpu.memory_space<vmem>>
    %dma_wait3A_24 = arith.constant 0 : i32
    %dma_wait3A_25 = arith.constant 0 : i32
    %dma_wait3A_26 = tpu.memref_slice %arg3[%dma_wait3A_24, %dma_wait3A_25] : memref<32x1024xf32, #tpu.memory_space<hbm>> -> memref<32x1024xf32, #tpu.memory_space<hbm>>
    tpu.wait_indirect_dma semaphore(%arg9 : memref<!tpu.dma_semaphore, #tpu.memory_space<semaphore_mem>>) src(%dma_wait3A_26 : memref<32x1024xf32, #tpu.memory_space<hbm>>) dst(%arg7 : memref<32x1024xf32, #tpu.memory_space<vmem>>)
    %add3A_27 = arith.constant 32 : i32
    %add3A_28 = arith.addi %mul3A_2, %add3A_27 : i32
    %dma_start3A_29 = arith.constant 0 : i32
    %dma_start3A_30 = tpu.memref_slice %arg4[%add3A_28, %dma_start3A_29] : memref<12288x1024xf32, #tpu.memory_space<hbm>> -> memref<32x1024xf32, #tpu.memory_space<hbm>>
    %dma_start3A_31 = arith.constant 0 : i32
    %dma_start3A_32 = tpu.memref_slice %arg4[%add3A_28, %dma_start3A_31] : memref<12288x1024xf32, #tpu.memory_space<hbm>> -> memref<32x1024xf32, #tpu.memory_space<hbm>>
    tpu.enqueue_dma source(%arg7 : memref<32x1024xf32, #tpu.memory_space<vmem>>) target(%dma_start3A_32 : memref<32x1024xf32, #tpu.memory_space<hbm>>) target_semaphore(%arg11 : memref<!tpu.dma_semaphore, #tpu.memory_space<semaphore_mem>>)
    %dma_wait3A_33 = arith.constant 0 : i32
    %dma_wait3A_34 = tpu.memref_slice %arg4[%add3A_12, %dma_wait3A_33] : memref<12288x1024xf32, #tpu.memory_space<hbm>> -> memref<32x1024xf32, #tpu.memory_space<hbm>>
    %dma_wait3A_35 = arith.constant 0 : i32
    %dma_wait3A_36 = tpu.memref_slice %arg4[%add3A_12, %dma_wait3A_35] : memref<12288x1024xf32, #tpu.memory_space<hbm>> -> memref<32x1024xf32, #tpu.memory_space<hbm>>
    tpu.wait_dma2 semaphore(%arg10 : memref<!tpu.dma_semaphore, #tpu.memory_space<semaphore_mem>>) src(%arg6 : memref<32x1024xf32, #tpu.memory_space<vmem>>) dst(%dma_wait3A_36 : memref<32x1024xf32, #tpu.memory_space<hbm>>)
    %dma_start3A_37 = arith.constant 64 : i32
    %dma_start3A_38 = tpu.memref_slice %arg5[%dma_start3A_37] : memref<384xi32, #tpu.memory_space<vmem>> -> memref<32xi32, #tpu.memory_space<vmem>>
    %dma_start3A_39 = arith.constant 0 : i32
    %dma_start3A_40 = arith.constant 0 : i32
    %dma_start3A_41 = tpu.memref_slice %arg3[%dma_start3A_39, %dma_start3A_40] : memref<32x1024xf32, #tpu.memory_space<hbm>> -> memref<32x1024xf32, #tpu.memory_space<hbm>>
    tpu.enqueue_indirect_dma source(%dma_start3A_41 : memref<32x1024xf32, #tpu.memory_space<hbm>>) target(%arg6 : memref<32x1024xf32, #tpu.memory_space<vmem>>) offsets(%dma_start3A_38 : memref<32xi32, #tpu.memory_space<vmem>>) semaphore(%arg8 : memref<!tpu.dma_semaphore, #tpu.memory_space<semaphore_mem>>)
    %dma_wait3A_42 = arith.constant 64 : i32
    %dma_wait3A_43 = tpu.memref_slice %arg5[%dma_wait3A_42] : memref<384xi32, #tpu.memory_space<vmem>> -> memref<32xi32, #tpu.memory_space<vmem>>
    %dma_wait3A_44 = arith.constant 0 : i32
    %dma_wait3A_45 = arith.constant 0 : i32
    %dma_wait3A_46 = tpu.memref_slice %arg3[%dma_wait3A_44, %dma_wait3A_45] : memref<32x1024xf32, #tpu.memory_space<hbm>> -> memref<32x1024xf32, #tpu.memory_space<hbm>>
    tpu.wait_indirect_dma semaphore(%arg8 : memref<!tpu.dma_semaphore, #tpu.memory_space<semaphore_mem>>) src(%dma_wait3A_46 : memref<32x1024xf32, #tpu.memory_space<hbm>>) dst(%arg6 : memref<32x1024xf32, #tpu.memory_space<vmem>>)
    %add3A_47 = arith.constant 64 : i32
    %add3A_48 = arith.addi %mul3A_2, %add3A_47 : i32
    %dma_start3A_49 = arith.constant 0 : i32
    %dma_start3A_50 = tpu.memref_slice %arg4[%add3A_48, %dma_start3A_49] : memref<12288x1024xf32, #tpu.memory_space<hbm>> -> memref<32x1024xf32, #tpu.memory_space<hbm>>
    %dma_start3A_51 = arith.constant 0 : i32
    %dma_start3A_52 = tpu.memref_slice %arg4[%add3A_48, %dma_start3A_51] : memref<12288x1024xf32, #tpu.memory_space<hbm>> -> memref<32x1024xf32, #tpu.memory_space<hbm>>
    tpu.enqueue_dma source(%arg6 : memref<32x1024xf32, #tpu.memory_space<vmem>>) target(%dma_start3A_52 : memref<32x1024xf32, #tpu.memory_space<hbm>>) target_semaphore(%arg10 : memref<!tpu.dma_semaphore, #tpu.memory_space<semaphore_mem>>)
    %dma_wait3A_53 = arith.constant 0 : i32
    %dma_wait3A_54 = tpu.memref_slice %arg4[%add3A_28, %dma_wait3A_53] : memref<12288x1024xf32, #tpu.memory_space<hbm>> -> memref<32x1024xf32, #tpu.memory_space<hbm>>
    %dma_wait3A_55 = arith.constant 0 : i32
    %dma_wait3A_56 = tpu.memref_slice %arg4[%add3A_28, %dma_wait3A_55] : memref<12288x1024xf32, #tpu.memory_space<hbm>> -> memref<32x1024xf32, #tpu.memory_space<hbm>>
    tpu.wait_dma2 semaphore(%arg11 : memref<!tpu.dma_semaphore, #tpu.memory_space<semaphore_mem>>) src(%arg7 : memref<32x1024xf32, #tpu.memory_space<vmem>>) dst(%dma_wait3A_56 : memref<32x1024xf32, #tpu.memory_space<hbm>>)
    %dma_start3A_57 = arith.constant 96 : i32
    %dma_start3A_58 = tpu.memref_slice %arg5[%dma_start3A_57] : memref<384xi32, #tpu.memory_space<vmem>> -> memref<32xi32, #tpu.memory_space<vmem>>
    %dma_start3A_59 = arith.constant 0 : i32
    %dma_start3A_60 = arith.constant 0 : i32
    %dma_start3A_61 = tpu.memref_slice %arg3[%dma_start3A_59, %dma_start3A_60] : memref<32x1024xf32, #tpu.memory_space<hbm>> -> memref<32x1024xf32, #tpu.memory_space<hbm>>
    tpu.enqueue_indirect_dma source(%dma_start3A_61 : memref<32x1024xf32, #tpu.memory_space<hbm>>) target(%arg7 : memref<32x1024xf32, #tpu.memory_space<vmem>>) offsets(%dma_start3A_58 : memref<32xi32, #tpu.memory_space<vmem>>) semaphore(%arg9 : memref<!tpu.dma_semaphore, #tpu.memory_space<semaphore_mem>>)
    %dma_wait3A_62 = arith.constant 96 : i32
    %dma_wait3A_63 = tpu.memref_slice %arg5[%dma_wait3A_62] : memref<384xi32, #tpu.memory_space<vmem>> -> memref<32xi32, #tpu.memory_space<vmem>>
    %dma_wait3A_64 = arith.constant 0 : i32
    %dma_wait3A_65 = arith.constant 0 : i32
    %dma_wait3A_66 = tpu.memref_slice %arg3[%dma_wait3A_64, %dma_wait3A_65] : memref<32x1024xf32, #tpu.memory_space<hbm>> -> memref<32x1024xf32, #tpu.memory_space<hbm>>
    tpu.wait_indirect_dma semaphore(%arg9 : memref<!tpu.dma_semaphore, #tpu.memory_space<semaphore_mem>>) src(%dma_wait3A_66 : memref<32x1024xf32, #tpu.memory_space<hbm>>) dst(%arg7 : memref<32x1024xf32, #tpu.memory_space<vmem>>)
    %add3A_67 = arith.constant 96 : i32
    %add3A_68 = arith.addi %mul3A_2, %add3A_67 : i32
    %dma_start3A_69 = arith.constant 0 : i32
    %dma_start3A_70 = tpu.memref_slice %arg4[%add3A_68, %dma_start3A_69] : memref<12288x1024xf32, #tpu.memory_space<hbm>> -> memref<32x1024xf32, #tpu.memory_space<hbm>>
    %dma_start3A_71 = arith.constant 0 : i32
    %dma_start3A_72 = tpu.memref_slice %arg4[%add3A_68, %dma_start3A_71] : memref<12288x1024xf32, #tpu.memory_space<hbm>> -> memref<32x1024xf32, #tpu.memory_space<hbm>>
    tpu.enqueue_dma source(%arg7 : memref<32x1024xf32, #tpu.memory_space<vmem>>) target(%dma_start3A_72 : memref<32x1024xf32, #tpu.memory_space<hbm>>) target_semaphore(%arg11 : memref<!tpu.dma_semaphore, #tpu.memory_space<semaphore_mem>>)
    %dma_wait3A_73 = arith.constant 0 : i32
    %dma_wait3A_74 = tpu.memref_slice %arg4[%add3A_48, %dma_wait3A_73] : memref<12288x1024xf32, #tpu.memory_space<hbm>> -> memref<32x1024xf32, #tpu.memory_space<hbm>>
    %dma_wait3A_75 = arith.constant 0 : i32
    %dma_wait3A_76 = tpu.memref_slice %arg4[%add3A_48, %dma_wait3A_75] : memref<12288x1024xf32, #tpu.memory_space<hbm>> -> memref<32x1024xf32, #tpu.memory_space<hbm>>
    tpu.wait_dma2 semaphore(%arg10 : memref<!tpu.dma_semaphore, #tpu.memory_space<semaphore_mem>>) src(%arg6 : memref<32x1024xf32, #tpu.memory_space<vmem>>) dst(%dma_wait3A_76 : memref<32x1024xf32, #tpu.memory_space<hbm>>)
    %dma_start3A_77 = arith.constant 128 : i32
    %dma_start3A_78 = tpu.memref_slice %arg5[%dma_start3A_77] : memref<384xi32, #tpu.memory_space<vmem>> -> memref<32xi32, #tpu.memory_space<vmem>>
    %dma_start3A_79 = arith.constant 0 : i32
    %dma_start3A_80 = arith.constant 0 : i32
    %dma_start3A_81 = tpu.memref_slice %arg3[%dma_start3A_79, %dma_start3A_80] : memref<32x1024xf32, #tpu.memory_space<hbm>> -> memref<32x1024xf32, #tpu.memory_space<hbm>>
    tpu.enqueue_indirect_dma source(%dma_start3A_81 : memref<32x1024xf32, #tpu.memory_space<hbm>>) target(%arg6 : memref<32x1024xf32, #tpu.memory_space<vmem>>) offsets(%dma_start3A_78 : memref<32xi32, #tpu.memory_space<vmem>>) semaphore(%arg8 : memref<!tpu.dma_semaphore, #tpu.memory_space<semaphore_mem>>)
    %dma_wait3A_82 = arith.constant 128 : i32
    %dma_wait3A_83 = tpu.memref_slice %arg5[%dma_wait3A_82] : memref<384xi32, #tpu.memory_space<vmem>> -> memref<32xi32, #tpu.memory_space<vmem>>
    %dma_wait3A_84 = arith.constant 0 : i32
    %dma_wait3A_85 = arith.constant 0 : i32
    %dma_wait3A_86 = tpu.memref_slice %arg3[%dma_wait3A_84, %dma_wait3A_85] : memref<32x1024xf32, #tpu.memory_space<hbm>> -> memref<32x1024xf32, #tpu.memory_space<hbm>>
    tpu.wait_indirect_dma semaphore(%arg8 : memref<!tpu.dma_semaphore, #tpu.memory_space<semaphore_mem>>) src(%dma_wait3A_86 : memref<32x1024xf32, #tpu.memory_space<hbm>>) dst(%arg6 : memref<32x1024xf32, #tpu.memory_space<vmem>>)
    %add3A_87 = arith.constant 128 : i32
    %add3A_88 = arith.addi %mul3A_2, %add3A_87 : i32
    %dma_start3A_89 = arith.constant 0 : i32
    %dma_start3A_90 = tpu.memref_slice %arg4[%add3A_88, %dma_start3A_89] : memref<12288x1024xf32, #tpu.memory_space<hbm>> -> memref<32x1024xf32, #tpu.memory_space<hbm>>
    %dma_start3A_91 = arith.constant 0 : i32
    %dma_start3A_92 = tpu.memref_slice %arg4[%add3A_88, %dma_start3A_91] : memref<12288x1024xf32, #tpu.memory_space<hbm>> -> memref<32x1024xf32, #tpu.memory_space<hbm>>
    tpu.enqueue_dma source(%arg6 : memref<32x1024xf32, #tpu.memory_space<vmem>>) target(%dma_start3A_92 : memref<32x1024xf32, #tpu.memory_space<hbm>>) target_semaphore(%arg10 : memref<!tpu.dma_semaphore, #tpu.memory_space<semaphore_mem>>)
    %dma_wait3A_93 = arith.constant 0 : i32
    %dma_wait3A_94 = tpu.memref_slice %arg4[%add3A_68, %dma_wait3A_93] : memref<12288x1024xf32, #tpu.memory_space<hbm>> -> memref<32x1024xf32, #tpu.memory_space<hbm>>
    %dma_wait3A_95 = arith.constant 0 : i32
    %dma_wait3A_96 = tpu.memref_slice %arg4[%add3A_68, %dma_wait3A_95] : memref<12288x1024xf32, #tpu.memory_space<hbm>> -> memref<32x1024xf32, #tpu.memory_space<hbm>>
    tpu.wait_dma2 semaphore(%arg11 : memref<!tpu.dma_semaphore, #tpu.memory_space<semaphore_mem>>) src(%arg7 : memref<32x1024xf32, #tpu.memory_space<vmem>>) dst(%dma_wait3A_96 : memref<32x1024xf32, #tpu.memory_space<hbm>>)
    %dma_start3A_97 = arith.constant 160 : i32
    %dma_start3A_98 = tpu.memref_slice %arg5[%dma_start3A_97] : memref<384xi32, #tpu.memory_space<vmem>> -> memref<32xi32, #tpu.memory_space<vmem>>
    %dma_start3A_99 = arith.constant 0 : i32
    %dma_start3A_100 = arith.constant 0 : i32
    %dma_start3A_101 = tpu.memref_slice %arg3[%dma_start3A_99, %dma_start3A_100] : memref<32x1024xf32, #tpu.memory_space<hbm>> -> memref<32x1024xf32, #tpu.memory_space<hbm>>
    tpu.enqueue_indirect_dma source(%dma_start3A_101 : memref<32x1024xf32, #tpu.memory_space<hbm>>) target(%arg7 : memref<32x1024xf32, #tpu.memory_space<vmem>>) offsets(%dma_start3A_98 : memref<32xi32, #tpu.memory_space<vmem>>) semaphore(%arg9 : memref<!tpu.dma_semaphore, #tpu.memory_space<semaphore_mem>>)
    %dma_wait3A_102 = arith.constant 160 : i32
    %dma_wait3A_103 = tpu.memref_slice %arg5[%dma_wait3A_102] : memref<384xi32, #tpu.memory_space<vmem>> -> memref<32xi32, #tpu.memory_space<vmem>>
    %dma_wait3A_104 = arith.constant 0 : i32
    %dma_wait3A_105 = arith.constant 0 : i32
    %dma_wait3A_106 = tpu.memref_slice %arg3[%dma_wait3A_104, %dma_wait3A_105] : memref<32x1024xf32, #tpu.memory_space<hbm>> -> memref<32x1024xf32, #tpu.memory_space<hbm>>
    tpu.wait_indirect_dma semaphore(%arg9 : memref<!tpu.dma_semaphore, #tpu.memory_space<semaphore_mem>>) src(%dma_wait3A_106 : memref<32x1024xf32, #tpu.memory_space<hbm>>) dst(%arg7 : memref<32x1024xf32, #tpu.memory_space<vmem>>)
    %add3A_107 = arith.constant 160 : i32
    %add3A_108 = arith.addi %mul3A_2, %add3A_107 : i32
    %dma_start3A_109 = arith.constant 0 : i32
    %dma_start3A_110 = tpu.memref_slice %arg4[%add3A_108, %dma_start3A_109] : memref<12288x1024xf32, #tpu.memory_space<hbm>> -> memref<32x1024xf32, #tpu.memory_space<hbm>>
    %dma_start3A_111 = arith.constant 0 : i32
    %dma_start3A_112 = tpu.memref_slice %arg4[%add3A_108, %dma_start3A_111] : memref<12288x1024xf32, #tpu.memory_space<hbm>> -> memref<32x1024xf32, #tpu.memory_space<hbm>>
    tpu.enqueue_dma source(%arg7 : memref<32x1024xf32, #tpu.memory_space<vmem>>) target(%dma_start3A_112 : memref<32x1024xf32, #tpu.memory_space<hbm>>) target_semaphore(%arg11 : memref<!tpu.dma_semaphore, #tpu.memory_space<semaphore_mem>>)
    %dma_wait3A_113 = arith.constant 0 : i32
    %dma_wait3A_114 = tpu.memref_slice %arg4[%add3A_88, %dma_wait3A_113] : memref<12288x1024xf32, #tpu.memory_space<hbm>> -> memref<32x1024xf32, #tpu.memory_space<hbm>>
    %dma_wait3A_115 = arith.constant 0 : i32
    %dma_wait3A_116 = tpu.memref_slice %arg4[%add3A_88, %dma_wait3A_115] : memref<12288x1024xf32, #tpu.memory_space<hbm>> -> memref<32x1024xf32, #tpu.memory_space<hbm>>
    tpu.wait_dma2 semaphore(%arg10 : memref<!tpu.dma_semaphore, #tpu.memory_space<semaphore_mem>>) src(%arg6 : memref<32x1024xf32, #tpu.memory_space<vmem>>) dst(%dma_wait3A_116 : memref<32x1024xf32, #tpu.memory_space<hbm>>)
    %dma_start3A_117 = arith.constant 192 : i32
    %dma_start3A_118 = tpu.memref_slice %arg5[%dma_start3A_117] : memref<384xi32, #tpu.memory_space<vmem>> -> memref<32xi32, #tpu.memory_space<vmem>>
    %dma_start3A_119 = arith.constant 0 : i32
    %dma_start3A_120 = arith.constant 0 : i32
    %dma_start3A_121 = tpu.memref_slice %arg3[%dma_start3A_119, %dma_start3A_120] : memref<32x1024xf32, #tpu.memory_space<hbm>> -> memref<32x1024xf32, #tpu.memory_space<hbm>>
    tpu.enqueue_indirect_dma source(%dma_start3A_121 : memref<32x1024xf32, #tpu.memory_space<hbm>>) target(%arg6 : memref<32x1024xf32, #tpu.memory_space<vmem>>) offsets(%dma_start3A_118 : memref<32xi32, #tpu.memory_space<vmem>>) semaphore(%arg8 : memref<!tpu.dma_semaphore, #tpu.memory_space<semaphore_mem>>)
    %dma_wait3A_122 = arith.constant 192 : i32
    %dma_wait3A_123 = tpu.memref_slice %arg5[%dma_wait3A_122] : memref<384xi32, #tpu.memory_space<vmem>> -> memref<32xi32, #tpu.memory_space<vmem>>
    %dma_wait3A_124 = arith.constant 0 : i32
    %dma_wait3A_125 = arith.constant 0 : i32
    %dma_wait3A_126 = tpu.memref_slice %arg3[%dma_wait3A_124, %dma_wait3A_125] : memref<32x1024xf32, #tpu.memory_space<hbm>> -> memref<32x1024xf32, #tpu.memory_space<hbm>>
    tpu.wait_indirect_dma semaphore(%arg8 : memref<!tpu.dma_semaphore, #tpu.memory_space<semaphore_mem>>) src(%dma_wait3A_126 : memref<32x1024xf32, #tpu.memory_space<hbm>>) dst(%arg6 : memref<32x1024xf32, #tpu.memory_space<vmem>>)
    %add3A_127 = arith.constant 192 : i32
    %add3A_128 = arith.addi %mul3A_2, %add3A_127 : i32
    %dma_start3A_129 = arith.constant 0 : i32
    %dma_start3A_130 = tpu.memref_slice %arg4[%add3A_128, %dma_start3A_129] : memref<12288x1024xf32, #tpu.memory_space<hbm>> -> memref<32x1024xf32, #tpu.memory_space<hbm>>
    %dma_start3A_131 = arith.constant 0 : i32
    %dma_start3A_132 = tpu.memref_slice %arg4[%add3A_128, %dma_start3A_131] : memref<12288x1024xf32, #tpu.memory_space<hbm>> -> memref<32x1024xf32, #tpu.memory_space<hbm>>
    tpu.enqueue_dma source(%arg6 : memref<32x1024xf32, #tpu.memory_space<vmem>>) target(%dma_start3A_132 : memref<32x1024xf32, #tpu.memory_space<hbm>>) target_semaphore(%arg10 : memref<!tpu.dma_semaphore, #tpu.memory_space<semaphore_mem>>)
    %dma_wait3A_133 = arith.constant 0 : i32
    %dma_wait3A_134 = tpu.memref_slice %arg4[%add3A_108, %dma_wait3A_133] : memref<12288x1024xf32, #tpu.memory_space<hbm>> -> memref<32x1024xf32, #tpu.memory_space<hbm>>
    %dma_wait3A_135 = arith.constant 0 : i32
    %dma_wait3A_136 = tpu.memref_slice %arg4[%add3A_108, %dma_wait3A_135] : memref<12288x1024xf32, #tpu.memory_space<hbm>> -> memref<32x1024xf32, #tpu.memory_space<hbm>>
    tpu.wait_dma2 semaphore(%arg11 : memref<!tpu.dma_semaphore, #tpu.memory_space<semaphore_mem>>) src(%arg7 : memref<32x1024xf32, #tpu.memory_space<vmem>>) dst(%dma_wait3A_136 : memref<32x1024xf32, #tpu.memory_space<hbm>>)
    %dma_start3A_137 = arith.constant 224 : i32
    %dma_start3A_138 = tpu.memref_slice %arg5[%dma_start3A_137] : memref<384xi32, #tpu.memory_space<vmem>> -> memref<32xi32, #tpu.memory_space<vmem>>
    %dma_start3A_139 = arith.constant 0 : i32
    %dma_start3A_140 = arith.constant 0 : i32
    %dma_start3A_141 = tpu.memref_slice %arg3[%dma_start3A_139, %dma_start3A_140] : memref<32x1024xf32, #tpu.memory_space<hbm>> -> memref<32x1024xf32, #tpu.memory_space<hbm>>
    tpu.enqueue_indirect_dma source(%dma_start3A_141 : memref<32x1024xf32, #tpu.memory_space<hbm>>) target(%arg7 : memref<32x1024xf32, #tpu.memory_space<vmem>>) offsets(%dma_start3A_138 : memref<32xi32, #tpu.memory_space<vmem>>) semaphore(%arg9 : memref<!tpu.dma_semaphore, #tpu.memory_space<semaphore_mem>>)
    %dma_wait3A_142 = arith.constant 224 : i32
    %dma_wait3A_143 = tpu.memref_slice %arg5[%dma_wait3A_142] : memref<384xi32, #tpu.memory_space<vmem>> -> memref<32xi32, #tpu.memory_space<vmem>>
    %dma_wait3A_144 = arith.constant 0 : i32
    %dma_wait3A_145 = arith.constant 0 : i32
    %dma_wait3A_146 = tpu.memref_slice %arg3[%dma_wait3A_144, %dma_wait3A_145] : memref<32x1024xf32, #tpu.memory_space<hbm>> -> memref<32x1024xf32, #tpu.memory_space<hbm>>
    tpu.wait_indirect_dma semaphore(%arg9 : memref<!tpu.dma_semaphore, #tpu.memory_space<semaphore_mem>>) src(%dma_wait3A_146 : memref<32x1024xf32, #tpu.memory_space<hbm>>) dst(%arg7 : memref<32x1024xf32, #tpu.memory_space<vmem>>)
    %add3A_147 = arith.constant 224 : i32
    %add3A_148 = arith.addi %mul3A_2, %add3A_147 : i32
    %dma_start3A_149 = arith.constant 0 : i32
    %dma_start3A_150 = tpu.memref_slice %arg4[%add3A_148, %dma_start3A_149] : memref<12288x1024xf32, #tpu.memory_space<hbm>> -> memref<32x1024xf32, #tpu.memory_space<hbm>>
    %dma_start3A_151 = arith.constant 0 : i32
    %dma_start3A_152 = tpu.memref_slice %arg4[%add3A_148, %dma_start3A_151] : memref<12288x1024xf32, #tpu.memory_space<hbm>> -> memref<32x1024xf32, #tpu.memory_space<hbm>>
    tpu.enqueue_dma source(%arg7 : memref<32x1024xf32, #tpu.memory_space<vmem>>) target(%dma_start3A_152 : memref<32x1024xf32, #tpu.memory_space<hbm>>) target_semaphore(%arg11 : memref<!tpu.dma_semaphore, #tpu.memory_space<semaphore_mem>>)
    %dma_wait3A_153 = arith.constant 0 : i32
    %dma_wait3A_154 = tpu.memref_slice %arg4[%add3A_128, %dma_wait3A_153] : memref<12288x1024xf32, #tpu.memory_space<hbm>> -> memref<32x1024xf32, #tpu.memory_space<hbm>>
    %dma_wait3A_155 = arith.constant 0 : i32
    %dma_wait3A_156 = tpu.memref_slice %arg4[%add3A_128, %dma_wait3A_155] : memref<12288x1024xf32, #tpu.memory_space<hbm>> -> memref<32x1024xf32, #tpu.memory_space<hbm>>
    tpu.wait_dma2 semaphore(%arg10 : memref<!tpu.dma_semaphore, #tpu.memory_space<semaphore_mem>>) src(%arg6 : memref<32x1024xf32, #tpu.memory_space<vmem>>) dst(%dma_wait3A_156 : memref<32x1024xf32, #tpu.memory_space<hbm>>)
    %dma_start3A_157 = arith.constant 256 : i32
    %dma_start3A_158 = tpu.memref_slice %arg5[%dma_start3A_157] : memref<384xi32, #tpu.memory_space<vmem>> -> memref<32xi32, #tpu.memory_space<vmem>>
    %dma_start3A_159 = arith.constant 0 : i32
    %dma_start3A_160 = arith.constant 0 : i32
    %dma_start3A_161 = tpu.memref_slice %arg3[%dma_start3A_159, %dma_start3A_160] : memref<32x1024xf32, #tpu.memory_space<hbm>> -> memref<32x1024xf32, #tpu.memory_space<hbm>>
    tpu.enqueue_indirect_dma source(%dma_start3A_161 : memref<32x1024xf32, #tpu.memory_space<hbm>>) target(%arg6 : memref<32x1024xf32, #tpu.memory_space<vmem>>) offsets(%dma_start3A_158 : memref<32xi32, #tpu.memory_space<vmem>>) semaphore(%arg8 : memref<!tpu.dma_semaphore, #tpu.memory_space<semaphore_mem>>)
    %dma_wait3A_162 = arith.constant 256 : i32
    %dma_wait3A_163 = tpu.memref_slice %arg5[%dma_wait3A_162] : memref<384xi32, #tpu.memory_space<vmem>> -> memref<32xi32, #tpu.memory_space<vmem>>
    %dma_wait3A_164 = arith.constant 0 : i32
    %dma_wait3A_165 = arith.constant 0 : i32
    %dma_wait3A_166 = tpu.memref_slice %arg3[%dma_wait3A_164, %dma_wait3A_165] : memref<32x1024xf32, #tpu.memory_space<hbm>> -> memref<32x1024xf32, #tpu.memory_space<hbm>>
    tpu.wait_indirect_dma semaphore(%arg8 : memref<!tpu.dma_semaphore, #tpu.memory_space<semaphore_mem>>) src(%dma_wait3A_166 : memref<32x1024xf32, #tpu.memory_space<hbm>>) dst(%arg6 : memref<32x1024xf32, #tpu.memory_space<vmem>>)
    %add3A_167 = arith.constant 256 : i32
    %add3A_168 = arith.addi %mul3A_2, %add3A_167 : i32
    %dma_start3A_169 = arith.constant 0 : i32
    %dma_start3A_170 = tpu.memref_slice %arg4[%add3A_168, %dma_start3A_169] : memref<12288x1024xf32, #tpu.memory_space<hbm>> -> memref<32x1024xf32, #tpu.memory_space<hbm>>
    %dma_start3A_171 = arith.constant 0 : i32
    %dma_start3A_172 = tpu.memref_slice %arg4[%add3A_168, %dma_start3A_171] : memref<12288x1024xf32, #tpu.memory_space<hbm>> -> memref<32x1024xf32, #tpu.memory_space<hbm>>
    tpu.enqueue_dma source(%arg6 : memref<32x1024xf32, #tpu.memory_space<vmem>>) target(%dma_start3A_172 : memref<32x1024xf32, #tpu.memory_space<hbm>>) target_semaphore(%arg10 : memref<!tpu.dma_semaphore, #tpu.memory_space<semaphore_mem>>)
    %dma_wait3A_173 = arith.constant 0 : i32
    %dma_wait3A_174 = tpu.memref_slice %arg4[%add3A_148, %dma_wait3A_173] : memref<12288x1024xf32, #tpu.memory_space<hbm>> -> memref<32x1024xf32, #tpu.memory_space<hbm>>
    %dma_wait3A_175 = arith.constant 0 : i32
    %dma_wait3A_176 = tpu.memref_slice %arg4[%add3A_148, %dma_wait3A_175] : memref<12288x1024xf32, #tpu.memory_space<hbm>> -> memref<32x1024xf32, #tpu.memory_space<hbm>>
    tpu.wait_dma2 semaphore(%arg11 : memref<!tpu.dma_semaphore, #tpu.memory_space<semaphore_mem>>) src(%arg7 : memref<32x1024xf32, #tpu.memory_space<vmem>>) dst(%dma_wait3A_176 : memref<32x1024xf32, #tpu.memory_space<hbm>>)
    %dma_start3A_177 = arith.constant 288 : i32
    %dma_start3A_178 = tpu.memref_slice %arg5[%dma_start3A_177] : memref<384xi32, #tpu.memory_space<vmem>> -> memref<32xi32, #tpu.memory_space<vmem>>
    %dma_start3A_179 = arith.constant 0 : i32
    %dma_start3A_180 = arith.constant 0 : i32
    %dma_start3A_181 = tpu.memref_slice %arg3[%dma_start3A_179, %dma_start3A_180] : memref<32x1024xf32, #tpu.memory_space<hbm>> -> memref<32x1024xf32, #tpu.memory_space<hbm>>
    tpu.enqueue_indirect_dma source(%dma_start3A_181 : memref<32x1024xf32, #tpu.memory_space<hbm>>) target(%arg7 : memref<32x1024xf32, #tpu.memory_space<vmem>>) offsets(%dma_start3A_178 : memref<32xi32, #tpu.memory_space<vmem>>) semaphore(%arg9 : memref<!tpu.dma_semaphore, #tpu.memory_space<semaphore_mem>>)
    %dma_wait3A_182 = arith.constant 288 : i32
    %dma_wait3A_183 = tpu.memref_slice %arg5[%dma_wait3A_182] : memref<384xi32, #tpu.memory_space<vmem>> -> memref<32xi32, #tpu.memory_space<vmem>>
    %dma_wait3A_184 = arith.constant 0 : i32
    %dma_wait3A_185 = arith.constant 0 : i32
    %dma_wait3A_186 = tpu.memref_slice %arg3[%dma_wait3A_184, %dma_wait3A_185] : memref<32x1024xf32, #tpu.memory_space<hbm>> -> memref<32x1024xf32, #tpu.memory_space<hbm>>
    tpu.wait_indirect_dma semaphore(%arg9 : memref<!tpu.dma_semaphore, #tpu.memory_space<semaphore_mem>>) src(%dma_wait3A_186 : memref<32x1024xf32, #tpu.memory_space<hbm>>) dst(%arg7 : memref<32x1024xf32, #tpu.memory_space<vmem>>)
    %add3A_187 = arith.constant 288 : i32
    %add3A_188 = arith.addi %mul3A_2, %add3A_187 : i32
    %dma_start3A_189 = arith.constant 0 : i32
    %dma_start3A_190 = tpu.memref_slice %arg4[%add3A_188, %dma_start3A_189] : memref<12288x1024xf32, #tpu.memory_space<hbm>> -> memref<32x1024xf32, #tpu.memory_space<hbm>>
    %dma_start3A_191 = arith.constant 0 : i32
    %dma_start3A_192 = tpu.memref_slice %arg4[%add3A_188, %dma_start3A_191] : memref<12288x1024xf32, #tpu.memory_space<hbm>> -> memref<32x1024xf32, #tpu.memory_space<hbm>>
    tpu.enqueue_dma source(%arg7 : memref<32x1024xf32, #tpu.memory_space<vmem>>) target(%dma_start3A_192 : memref<32x1024xf32, #tpu.memory_space<hbm>>) target_semaphore(%arg11 : memref<!tpu.dma_semaphore, #tpu.memory_space<semaphore_mem>>)
    %dma_wait3A_193 = arith.constant 0 : i32
    %dma_wait3A_194 = tpu.memref_slice %arg4[%add3A_168, %dma_wait3A_193] : memref<12288x1024xf32, #tpu.memory_space<hbm>> -> memref<32x1024xf32, #tpu.memory_space<hbm>>
    %dma_wait3A_195 = arith.constant 0 : i32
    %dma_wait3A_196 = tpu.memref_slice %arg4[%add3A_168, %dma_wait3A_195] : memref<12288x1024xf32, #tpu.memory_space<hbm>> -> memref<32x1024xf32, #tpu.memory_space<hbm>>
    tpu.wait_dma2 semaphore(%arg10 : memref<!tpu.dma_semaphore, #tpu.memory_space<semaphore_mem>>) src(%arg6 : memref<32x1024xf32, #tpu.memory_space<vmem>>) dst(%dma_wait3A_196 : memref<32x1024xf32, #tpu.memory_space<hbm>>)
    %dma_start3A_197 = arith.constant 320 : i32
    %dma_start3A_198 = tpu.memref_slice %arg5[%dma_start3A_197] : memref<384xi32, #tpu.memory_space<vmem>> -> memref<32xi32, #tpu.memory_space<vmem>>
    %dma_start3A_199 = arith.constant 0 : i32
    %dma_start3A_200 = arith.constant 0 : i32
    %dma_start3A_201 = tpu.memref_slice %arg3[%dma_start3A_199, %dma_start3A_200] : memref<32x1024xf32, #tpu.memory_space<hbm>> -> memref<32x1024xf32, #tpu.memory_space<hbm>>
    tpu.enqueue_indirect_dma source(%dma_start3A_201 : memref<32x1024xf32, #tpu.memory_space<hbm>>) target(%arg6 : memref<32x1024xf32, #tpu.memory_space<vmem>>) offsets(%dma_start3A_198 : memref<32xi32, #tpu.memory_space<vmem>>) semaphore(%arg8 : memref<!tpu.dma_semaphore, #tpu.memory_space<semaphore_mem>>)
    %dma_wait3A_202 = arith.constant 320 : i32
    %dma_wait3A_203 = tpu.memref_slice %arg5[%dma_wait3A_202] : memref<384xi32, #tpu.memory_space<vmem>> -> memref<32xi32, #tpu.memory_space<vmem>>
    %dma_wait3A_204 = arith.constant 0 : i32
    %dma_wait3A_205 = arith.constant 0 : i32
    %dma_wait3A_206 = tpu.memref_slice %arg3[%dma_wait3A_204, %dma_wait3A_205] : memref<32x1024xf32, #tpu.memory_space<hbm>> -> memref<32x1024xf32, #tpu.memory_space<hbm>>
    tpu.wait_indirect_dma semaphore(%arg8 : memref<!tpu.dma_semaphore, #tpu.memory_space<semaphore_mem>>) src(%dma_wait3A_206 : memref<32x1024xf32, #tpu.memory_space<hbm>>) dst(%arg6 : memref<32x1024xf32, #tpu.memory_space<vmem>>)
    %add3A_207 = arith.constant 320 : i32
    %add3A_208 = arith.addi %mul3A_2, %add3A_207 : i32
    %dma_start3A_209 = arith.constant 0 : i32
    %dma_start3A_210 = tpu.memref_slice %arg4[%add3A_208, %dma_start3A_209] : memref<12288x1024xf32, #tpu.memory_space<hbm>> -> memref<32x1024xf32, #tpu.memory_space<hbm>>
    %dma_start3A_211 = arith.constant 0 : i32
    %dma_start3A_212 = tpu.memref_slice %arg4[%add3A_208, %dma_start3A_211] : memref<12288x1024xf32, #tpu.memory_space<hbm>> -> memref<32x1024xf32, #tpu.memory_space<hbm>>
    tpu.enqueue_dma source(%arg6 : memref<32x1024xf32, #tpu.memory_space<vmem>>) target(%dma_start3A_212 : memref<32x1024xf32, #tpu.memory_space<hbm>>) target_semaphore(%arg10 : memref<!tpu.dma_semaphore, #tpu.memory_space<semaphore_mem>>)
    %dma_wait3A_213 = arith.constant 0 : i32
    %dma_wait3A_214 = tpu.memref_slice %arg4[%add3A_188, %dma_wait3A_213] : memref<12288x1024xf32, #tpu.memory_space<hbm>> -> memref<32x1024xf32, #tpu.memory_space<hbm>>
    %dma_wait3A_215 = arith.constant 0 : i32
    %dma_wait3A_216 = tpu.memref_slice %arg4[%add3A_188, %dma_wait3A_215] : memref<12288x1024xf32, #tpu.memory_space<hbm>> -> memref<32x1024xf32, #tpu.memory_space<hbm>>
    tpu.wait_dma2 semaphore(%arg11 : memref<!tpu.dma_semaphore, #tpu.memory_space<semaphore_mem>>) src(%arg7 : memref<32x1024xf32, #tpu.memory_space<vmem>>) dst(%dma_wait3A_216 : memref<32x1024xf32, #tpu.memory_space<hbm>>)
    %dma_start3A_217 = arith.constant 352 : i32
    %dma_start3A_218 = tpu.memref_slice %arg5[%dma_start3A_217] : memref<384xi32, #tpu.memory_space<vmem>> -> memref<32xi32, #tpu.memory_space<vmem>>
    %dma_start3A_219 = arith.constant 0 : i32
    %dma_start3A_220 = arith.constant 0 : i32
    %dma_start3A_221 = tpu.memref_slice %arg3[%dma_start3A_219, %dma_start3A_220] : memref<32x1024xf32, #tpu.memory_space<hbm>> -> memref<32x1024xf32, #tpu.memory_space<hbm>>
    tpu.enqueue_indirect_dma source(%dma_start3A_221 : memref<32x1024xf32, #tpu.memory_space<hbm>>) target(%arg7 : memref<32x1024xf32, #tpu.memory_space<vmem>>) offsets(%dma_start3A_218 : memref<32xi32, #tpu.memory_space<vmem>>) semaphore(%arg9 : memref<!tpu.dma_semaphore, #tpu.memory_space<semaphore_mem>>)
    %dma_wait3A_222 = arith.constant 352 : i32
    %dma_wait3A_223 = tpu.memref_slice %arg5[%dma_wait3A_222] : memref<384xi32, #tpu.memory_space<vmem>> -> memref<32xi32, #tpu.memory_space<vmem>>
    %dma_wait3A_224 = arith.constant 0 : i32
    %dma_wait3A_225 = arith.constant 0 : i32
    %dma_wait3A_226 = tpu.memref_slice %arg3[%dma_wait3A_224, %dma_wait3A_225] : memref<32x1024xf32, #tpu.memory_space<hbm>> -> memref<32x1024xf32, #tpu.memory_space<hbm>>
    tpu.wait_indirect_dma semaphore(%arg9 : memref<!tpu.dma_semaphore, #tpu.memory_space<semaphore_mem>>) src(%dma_wait3A_226 : memref<32x1024xf32, #tpu.memory_space<hbm>>) dst(%arg7 : memref<32x1024xf32, #tpu.memory_space<vmem>>)
    %add3A_227 = arith.constant 352 : i32
    %add3A_228 = arith.addi %mul3A_2, %add3A_227 : i32
    %dma_start3A_229 = arith.constant 0 : i32
    %dma_start3A_230 = tpu.memref_slice %arg4[%add3A_228, %dma_start3A_229] : memref<12288x1024xf32, #tpu.memory_space<hbm>> -> memref<32x1024xf32, #tpu.memory_space<hbm>>
    %dma_start3A_231 = arith.constant 0 : i32
    %dma_start3A_232 = tpu.memref_slice %arg4[%add3A_228, %dma_start3A_231] : memref<12288x1024xf32, #tpu.memory_space<hbm>> -> memref<32x1024xf32, #tpu.memory_space<hbm>>
    tpu.enqueue_dma source(%arg7 : memref<32x1024xf32, #tpu.memory_space<vmem>>) target(%dma_start3A_232 : memref<32x1024xf32, #tpu.memory_space<hbm>>) target_semaphore(%arg11 : memref<!tpu.dma_semaphore, #tpu.memory_space<semaphore_mem>>)
    %dma_wait3A_233 = arith.constant 0 : i32
    %dma_wait3A_234 = tpu.memref_slice %arg4[%add3A_208, %dma_wait3A_233] : memref<12288x1024xf32, #tpu.memory_space<hbm>> -> memref<32x1024xf32, #tpu.memory_space<hbm>>
    %dma_wait3A_235 = arith.constant 0 : i32
    %dma_wait3A_236 = tpu.memref_slice %arg4[%add3A_208, %dma_wait3A_235] : memref<12288x1024xf32, #tpu.memory_space<hbm>> -> memref<32x1024xf32, #tpu.memory_space<hbm>>
    tpu.wait_dma2 semaphore(%arg10 : memref<!tpu.dma_semaphore, #tpu.memory_space<semaphore_mem>>) src(%arg6 : memref<32x1024xf32, #tpu.memory_space<vmem>>) dst(%dma_wait3A_236 : memref<32x1024xf32, #tpu.memory_space<hbm>>)
    %dma_wait3A_237 = arith.constant 0 : i32
    %dma_wait3A_238 = tpu.memref_slice %arg4[%add3A_228, %dma_wait3A_237] : memref<12288x1024xf32, #tpu.memory_space<hbm>> -> memref<32x1024xf32, #tpu.memory_space<hbm>>
    %dma_wait3A_239 = arith.constant 0 : i32
    %dma_wait3A_240 = tpu.memref_slice %arg4[%add3A_228, %dma_wait3A_239] : memref<12288x1024xf32, #tpu.memory_space<hbm>> -> memref<32x1024xf32, #tpu.memory_space<hbm>>
    tpu.wait_dma2 semaphore(%arg11 : memref<!tpu.dma_semaphore, #tpu.memory_space<semaphore_mem>>) src(%arg7 : memref<32x1024xf32, #tpu.memory_space<vmem>>) dst(%dma_wait3A_240 : memref<32x1024xf32, #tpu.memory_space<hbm>>)
    return
  }
}

module attributes {stable_mosaic.version = 14 : i64} {
  func.func @_tc_body(%arg0: i32, %arg1: memref<1x1x512xi32, #tpu.memory_space<vmem>>, %arg2: memref<32x4xf32, #tpu.memory_space<vmem>>, %arg3: memref<512x1024xf32, #tpu.memory_space<vmem>>) attributes {dimension_semantics = [#tpu.dimension_semantics<arbitrary>], iteration_bounds = array<i64: 24>, scalar_prefetch = 0 : i64, scratch_operands = 0 : i64, tpu.core_type = #tpu.core_type<tc>, window_params = [{transform_indices = @transform_0, window_bounds = array<i64: 1, 1, 512>}, {pipeline_mode = #tpu.pipeline_mode<synchronous>, transform_indices = @transform_1, window_bounds = array<i64: 32, 4>}, {transform_indices = @transform_2, window_bounds = array<i64: 512, 1024>}]} {
    %jit3A = arith.constant 8 : i32
    %div3A = arith.divsi %arg0, %jit3A : i32
    %sign3A = arith.constant 0 : i32
    %sign3A_0 = arith.cmpi sgt, %arg0, %sign3A : i32
    %sign3A_1 = arith.extui %sign3A_0 : i1 to i32
    %sign3A_2 = arith.constant 0 : i32
    %sign3A_3 = arith.cmpi slt, %arg0, %sign3A_2 : i32
    %sign3A_4 = arith.extui %sign3A_3 : i1 to i32
    %sign3A_5 = arith.subi %sign3A_1, %sign3A_4 : i32
    %sign3A_6 = arith.constant 0 : i32
    %sign3A_7 = arith.cmpi sgt, %jit3A, %sign3A_6 : i32
    %sign3A_8 = arith.extui %sign3A_7 : i1 to i32
    %sign3A_9 = arith.constant 0 : i32
    %sign3A_10 = arith.cmpi slt, %jit3A, %sign3A_9 : i32
    %sign3A_11 = arith.extui %sign3A_10 : i1 to i32
    %sign3A_12 = arith.subi %sign3A_8, %sign3A_11 : i32
    %ne3A = arith.cmpi ne, %sign3A_5, %sign3A_12 : i32
    %rem3A = arith.remsi %arg0, %jit3A : i32
    %ne3A_13 = arith.constant 0 : i32
    %ne3A_14 = arith.cmpi ne, %rem3A, %ne3A_13 : i32
    %and3A = arith.andi %ne3A, %ne3A_14 : i1
    %sub3A = arith.constant 1 : i32
    %sub3A_15 = arith.subi %div3A, %sub3A : i32
    %select_n3A = arith.select %and3A, %sub3A_15, %div3A : i32
    %get3A = arith.constant 0 : index
    %get3A_16 = arith.constant 0 : index
    %get3A_17 = arith.constant 0 : index
    %get3A_18 = vector.load %arg1[%get3A, %get3A_16, %get3A_17] : memref<1x1x512xi32, #tpu.memory_space<vmem>>, vector<1x1x512xi32>
    %get3A_19 = vector.shape_cast %get3A_18 : vector<1x1x512xi32> to vector<512xi32>
    %iota3A = tpu.iota {dimensions = array<i32: 1>} : vector<512x32xi32>
    %broadcast_in_dim3A = vector.shape_cast %get3A_19 : vector<512xi32> to vector<512x1xi32>
    %eq3A = vector.broadcast %broadcast_in_dim3A : vector<512x1xi32> to vector<512x32xi32>
    %eq3A_20 = arith.cmpi eq, %iota3A, %eq3A : vector<512x32xi32>
    %convert_element_type3A = arith.extui %eq3A_20 : vector<512x32xi1> to vector<512x32xi32>
    %convert_element_type3A_21 = arith.sitofp %convert_element_type3A : vector<512x32xi32> to vector<512x32xf32>
    %get3A_22 = arith.constant 0 : index
    %get3A_23 = arith.constant 0 : index
    %get3A_24 = vector.load %arg2[%get3A_22, %get3A_23] : memref<32x4xf32, #tpu.memory_space<vmem>>, vector<32x4xf32>
    %dot_general3A = arith.constant dense<0.000000e+00> : vector<512x4xf32>
    %dot_general3A_25 = tpu.matmul %convert_element_type3A_21, %get3A_24, %dot_general3A {dimension_numbers = #tpu.dot_dimension_numbers<[1], [0], [0], [1], [0, 0, 1, 1], [], []>, transpose_lhs_hint = false} : vector<512x32xf32>, vector<32x4xf32>, vector<512x4xf32> -> vector<512x4xf32>
    %slice3A = vector.extract_strided_slice %dot_general3A_25 {offsets = [0, 0], sizes = [512, 1], strides = [1, 1]} : vector<512x4xf32> to vector<512x1xf32>
    %slice3A_26 = vector.extract_strided_slice %dot_general3A_25 {offsets = [0, 1], sizes = [512, 1], strides = [1, 1]} : vector<512x4xf32> to vector<512x1xf32>
    %slice3A_27 = vector.extract_strided_slice %dot_general3A_25 {offsets = [0, 2], sizes = [512, 1], strides = [1, 1]} : vector<512x4xf32> to vector<512x1xf32>
    %abs3A = math.absf %slice3A_27 : vector<512x1xf32>
    %neg3A = arith.constant 0.000000e+00 : f32
    %neg3A_28 = vector.broadcast %neg3A : f32 to vector<512x1xf32>
    %neg3A_29 = arith.subf %neg3A_28, %abs3A : vector<512x1xf32>
    %mul3A = arith.mulf %slice3A, %slice3A : vector<512x1xf32>
    %mul3A_30 = arith.mulf %slice3A_26, %slice3A_26 : vector<512x1xf32>
    %add3A = arith.addf %mul3A, %mul3A_30 : vector<512x1xf32>
    %mul3A_31 = arith.mulf %neg3A_29, %neg3A_29 : vector<512x1xf32>
    %add3A_32 = arith.addf %add3A, %mul3A_31 : vector<512x1xf32>
    %sqrt3A = math.sqrt %add3A_32 : vector<512x1xf32>
    %max3A = arith.constant 9.99999996E-13 : f32
    %max3A_33 = vector.broadcast %max3A : f32 to vector<512x1xf32>
    %max3A_34 = arith.maximumf %sqrt3A, %max3A_33 : vector<512x1xf32>
    %eq3A_35 = arith.constant 0 : i32
    %eq3A_36 = arith.cmpi eq, %select_n3A, %eq3A_35 : i32
    %eq3A_37 = arith.constant 1 : i32
    %eq3A_38 = arith.cmpi eq, %select_n3A, %eq3A_37 : i32
    %select_n3A_39 = arith.select %eq3A_38, %slice3A_26, %neg3A_29 : vector<512x1xf32>
    %select_n3A_40 = arith.select %eq3A_36, %slice3A, %select_n3A_39 : vector<512x1xf32>
    %div3A_41 = arith.divf %select_n3A_40, %max3A_34 : vector<512x1xf32>
    %broadcast_in_dim3A_42 = vector.shape_cast %div3A_41 : vector<512x1xf32> to vector<512x1xf32>
    %broadcast_in_dim3A_43 = vector.broadcast %broadcast_in_dim3A_42 : vector<512x1xf32> to vector<512x1024xf32>
    %swap3A = arith.constant 0 : index
    %swap3A_44 = arith.constant 0 : index
    %swap3A_45 = vector.load %arg3[%swap3A, %swap3A_44] : memref<512x1024xf32, #tpu.memory_space<vmem>>, vector<512x1024xf32>
    tpu.vector_store %arg3[%swap3A, %swap3A_44], %broadcast_in_dim3A_43 {strides = array<i32>} : memref<512x1024xf32, #tpu.memory_space<vmem>>, vector<512x1024xf32>,
    return
  }
  func.func @transform_0(%arg0: i32) -> (i32, i32, i32) {
    %rem3A = arith.constant 8 : i32
    %rem3A_0 = arith.remsi %arg0, %rem3A : i32
    %c0_i32 = arith.constant 0 : i32
    %c0_i32_1 = arith.constant 0 : i32
    %c0_i32_2 = arith.constant 0 : i32
    return %rem3A_0, %c0_i32, %c0_i32_1 : i32, i32, i32
  }
  func.func @transform_1(%arg0: i32) -> (i32, i32) {
    %c0_i32 = arith.constant 0 : i32
    %c0_i32_0 = arith.constant 0 : i32
    %c0_i32_1 = arith.constant 0 : i32
    return %c0_i32, %c0_i32_0 : i32, i32
  }
  func.func @transform_2(%arg0: i32) -> (i32, i32) {
    %c0_i32 = arith.constant 0 : i32
    %c0_i32_0 = arith.constant 0 : i32
    return %arg0, %c0_i32 : i32, i32
  }
}

</mosaic_0001>

<sc_bundles>
// kernel: kernel.4.cloned.1.call-start
scs
__scs_entry_jumppad:
0x0: {  	(pc) =	sbr.rel $0x88, $3  }
0x1: {  	(tag) =	ssettag $0x0;
	lr =	simm.s32 $0x1  }
0x2: {  	[smem:$0x3F9D] =	sst lr;
	_ =	strace $0xD0000000  }
0x3: {  	_ = 	snop  }
0x4: {  	_ = 	snop  }
0x5: {  	_ = 	snop  }
0x6: {  	_ = 	snop  }
0x7: {  	_ = 	snop  }
__scs_overlays_trampoline_lowered:
0x8: {  	[smem:$0x3FAC] =	sst s0  }
0x9: {  	[smem:$0x3FAD] =	sst s1  }
0xa: {  	[smem:$0x3FAE] =	sst s2  }
0xb: {  	[smem:$0x3FAF] =	sst s3  }
0xc: {  	[smem:$0x3FB0] =	sst s4  }
0xd: {  	[smem:$0x3FB1] =	sst s5  }
0xe: {  	[smem:$0x3FB2] =	sst s6  }
0xf: {  	[smem:$0x3FB3] =	sst s7  }
0x10: {  	[smem:$0x3FB4] =	sst s8  }
0x11: {  	[smem:$0x3FB5] =	sst s9;
	s0 =	simm.s32 @!p0 $0x0  }
0x12: {  	s1 =	sld [smem:$0x3F9B];
	s0 =	simm.s32 @p0 $0x1  }
0x13: {  	[smem:$0x3FB6] =	sst s0;
	s0 =	simm.s32 @!p1 $0x0  }
0x14: {  	s2 =	sld [smem:$0x3F9A];
	s0 =	simm.s32 @p1 $0x1  }
0x15: {  	[smem:$0x3FB7] =	sst s0;
	s0 =	simm.s32 @!p2 $0x0  }
0x16: {  	s3 =	sld [smem:$0x3FDB];
	s0 =	simm.s32 @p2 $0x1  }
0x17: {  	s4 =	simm.s32 $0x1BF5;
	[smem:$0x3FB9] =	sst s0  }
0x18: {  	s0 =	sld [smem:$0x3F9C];
	_ =	swait.ge [sflag:s4], $0x0  }
0x19: {  	s7 =	sld [smem:$0x3F9D]  }
0x1a: {  	s8 =	sadd.s32 $0xFFFFE003, lr  }
0x1b: {  	s9 =	sadd.s32 $0xFFFFFEF7, lr;
	s5 =	simm.s32 $0xFFFFFFFF;
	p2 =	slt.u32 s8, $0xFFFFF086  }
0x1c: {  	p1 =	slt.u32 s9, $0xF7A;
	s5 =	simm.s32 @!p2 $0x0  }
0x1d: {  	s5 =	simm.s32 @p1 $0x1;
	p0 =	seq.s32 s7, s2  }
0x1e: {  	s7 =	smul.u32 @!p0 $0xF7A, s2;
	p2 =	seq.s32 @!p0 s5, $0x0  }
0x1f: {  	s9 =	smul.u32 $0xF7A, s1;
	s8 =	simm.s32 @!p0 $0x1BF5;
	p2 =	por !p2, p0  }
0x20: {  	[sflag:s8] =	ssyncset.s32 @!p0 $0xFFFFF086;
	s6 =	sadd.s32 @!p0 s3, s7;
	s7 =	simm.s32 @!p0 $0x108  }
0x21: {  	s3 =	sadd.s32 s3, s9;
	s6 =	sadd.s32 @!p0 $0x88, s6;
	s7 =	simm.s32 @p2 $0x1082  }
0x22: {  	[simem:s7], [sflag:s8] =	dma.local @!p0 [hbm:s6], $0xF7A  }
0x23: {  	s9 =	sor.u32 $0xD0000000, s2;
	s6 =	simm.s32 $0x108;
	_ =	swait.ge @!p0 [sflag:s8], $0x0  }
0x24: {  	s3 =	sadd.s32 $0x88, s3;
	s6 =	simm.s32 @!p1 $0x1082;
	[sflag:s4] =	ssyncset.s32 $0xFFFFF086  }
0x25: {  	[simem:s6], [sflag:s4] =	dma.local [hbm:s3], $0xF7A  }
0x26: {  	[smem:$0x3F9D] =	sst s1;
	(tag) =	ssettag s2;
	_ =	strace s9  }
0x27: {  	s1 =	sld [smem:$0x3FAD]  }
0x28: {  	s2 =	sld [smem:$0x3FAE]  }
0x29: {  	s4 =	sld [smem:$0x3FB0]  }
0x2a: {  	p0 =	seq.s32 s5, $0x0;
	s5 =	sld [smem:$0x3FB1]  }
0x2b: {  	s6 =	sld [smem:$0x3FB2]  }
0x2c: {  	s7 =	sld [smem:$0x3FB3]  }
0x2d: {  	s3 =	simm.s32 $0x108;
	s8 =	sld [smem:$0x3FB4]  }
0x2e: {  	s3 =	simm.s32 @!p0 $0x1082;
	s9 =	sld [smem:$0x3FB5]  }
0x2f: {  	lr =	sadd.s32 s0, s3;
	s0 =	sld [smem:$0x3FAC]  }
0x30: {  	s3 =	sld [smem:$0x3FAF]  }
0x31: {  	[smem:$0x3FB8] =	sst s10  }
0x32: {  	s10 =	sld [smem:$0x3FB6];
	_ =	sdelay $0x3  }
0x33: {  	p0 =	seq.s32 s10, $0x1;
	s10 =	sld [smem:$0x3FB8];
	_ =	sdelay $0x3  }
0x34: {  	[smem:$0x3FB8] =	sst s10  }
0x35: {  	s10 =	sld [smem:$0x3FB7];
	_ =	sdelay $0x3  }
0x36: {  	p1 =	seq.s32 s10, $0x1;
	s10 =	sld [smem:$0x3FB8];
	_ =	sdelay $0x3  }
0x37: {  	[smem:$0x3FB8] =	sst s10  }
0x38: {  	s10 =	sld [smem:$0x3FB9]  }
0x39: {  	_ = 	snop;
	(pc) =	sbr.ind lr, $3  }
0x3a: {  	_ = 	snop  }
0x3b: {  	_ = 	snop  }
0x3c: {  	p2 =	seq.s32 s10, $0x1;
	s10 =	sld [smem:$0x3FB8]  }
0x3d: {  	_ =	shalt  }
0x3e: {  	_ =	shalt  }
0x3f: {  	_ =	shalt  }
0x40: {  	_ =	shalt  }
0x41: {  	_ =	shalt  }
0x42: {  	_ =	shalt  }
0x43: {  	_ =	shalt  }
0x44: {  	_ =	shalt  }
0x45: {  	_ =	shalt  }
0x46: {  	_ =	shalt  }
0x47: {  	_ =	shalt  }
0x48: {  	_ =	shalt  }
0x49: {  	_ =	shalt  }
0x4a: {  	_ =	shalt  }
0x4b: {  	_ =	shalt  }
0x4c: {  	_ =	shalt  }
0x4d: {  	_ =	shalt  }
0x4e: {  	_ =	shalt  }
0x4f: {  	_ =	shalt  }
0x50: {  	_ =	shalt  }
0x51: {  	_ =	shalt  }
0x52: {  	_ =	shalt  }
0x53: {  	_ =	shalt  }
0x54: {  	_ =	shalt  }
0x55: {  	_ =	shalt  }
0x56: {  	_ =	shalt  }
0x57: {  	_ =	shalt  }
0x58: {  	_ =	shalt  }
0x59: {  	_ =	shalt  }
0x5a: {  	_ =	shalt  }
0x5b: {  	_ =	shalt  }
0x5c: {  	_ =	shalt  }
0x5d: {  	_ =	shalt  }
0x5e: {  	_ =	shalt  }
0x5f: {  	_ =	shalt  }
0x60: {  	_ =	shalt  }
0x61: {  	_ =	shalt  }
0x62: {  	_ =	shalt  }
0x63: {  	_ =	shalt  }
0x64: {  	_ =	shalt  }
0x65: {  	_ =	shalt  }
0x66: {  	_ =	shalt  }
0x67: {  	_ =	shalt  }
0x68: {  	_ =	shalt  }
0x69: {  	_ =	shalt  }
0x6a: {  	_ =	shalt  }
0x6b: {  	_ =	shalt  }
0x6c: {  	_ =	shalt  }
0x6d: {  	_ =	shalt  }
0x6e: {  	_ =	shalt  }
0x6f: {  	_ =	shalt  }
0x70: {  	_ =	shalt  }
0x71: {  	_ =	shalt  }
0x72: {  	_ =	shalt  }
0x73: {  	_ =	shalt  }
0x74: {  	_ =	shalt  }
0x75: {  	_ =	shalt  }
0x76: {  	_ =	shalt  }
0x77: {  	_ =	shalt  }
0x78: {  	_ =	shalt  }
0x79: {  	_ =	shalt  }
0x7a: {  	_ =	shalt  }
0x7b: {  	_ =	shalt  }
0x7c: {  	_ =	shalt  }
0x7d: {  	_ =	shalt  }
0x7e: {  	_ =	shalt  }
0x7f: {  	_ =	shalt  }
0x80: {  	_ =	shalt  }
0x81: {  	_ =	shalt  }
0x82: {  	_ =	shalt  }
0x83: {  	_ =	shalt  }
0x84: {  	_ =	shalt  }
0x85: {  	_ =	shalt  }
0x86: {  	_ =	shalt  }
0x87: {  	_ =	shalt  }
.Lfunc_end0:
.L_simem_size_0:
called_computation_lowered:
.L_overlay_start_0:
0x88: {  	s2 =	sld [smem:$0x3FD9]  }
0x89: {  	s3 =	sld [smem:$0x3FFE];
	_ =	sdelay $0x1  }
0x8a: {  	s1 =	srdreg.scid  }
0x8b: {  	s0 =	sand.u32 $0x1, s1  }
0x8c: {  	s16 =	sshll.u32 s0, $0xA;
	s2 =	sadd.s32 s3, s2  }
0x8d: {  	s2 =	sadd.s32 s2, s16  }
0x8e: {  	[smem:$0x3FC4] =	sst s2  }
0x8f: {  	_ = 	snop  }
0x90: {  	(tm) =	ssettm $0x1  }
0x91: {  	s17 =	sld [smem:$0x3FFB];
	_ =	sdelay $0x3  }
0x92: {  	_ =	strace s17  }
0x93: {  	s2 =	sld [smem:$0x3FFC];
	_ =	sdelay $0x3  }
0x94: {  	_ =	strace s2  }
0x95: {  	s2 =	sld [smem:$0x3FFD];
	_ =	sdelay $0x3  }
0x96: {  	_ =	strace s2  }
0x97: {  	_ =	strace $0x8FFFFFFF  }
0x98: {  	s18 =	sld [smem:$0x3FDB];
	_ =	sdelay $0x1  }
0x99: {  	s19 =	simm.s32 $_scs_section_size  }
0x9a: {  	s4 =	simm.s32 $_size__tile_overlayer_lowered;
	s5 =	simm.s32 $_tile_overlayer_lowered  }
0x9b: {  	s22 =	simm.s32 $0x1BFF;
	s21 =	sshll.u32 s5, $0x1;
	s2 =	sadd.s32 s19, s18  }
0x9c: {  	s6 =	simm.s32 $0x0;
	s20 =	sshll.u32 s4, $0x1;
	s4 =	sadd.s32 s21, s2  }
0x9d: {  	[timem:s6], [sflag:s22] =	dma.local [hbm:s4], s20  }
0x9e: {  	_ =	swait.ge [sflag:s22], s20  }
0x9f: {  	s3 =	ssub.s32 $0x0, s20;
	[sflag:s22] =	ssyncset.done $0x0  }
0xa0: {  	[sflag:s22] =	ssyncadd.s32 s3;
	_ =	sdelay $0x1  }
0xa1: {  	s23 =	simm.s32 $0x1B8B  }
0xa2: {  	_ =	swait.ge [sflag:s23], $0x1  }
0xa3: {  	[sflag:s23] =	ssyncset.done $0x0  }
0xa4: {  	s25 =	simm.s32 $0x1B8E;
	s24 =	sld [smem:$0x3FFE];
	[sflag:s23] =	ssyncadd.s32 $0xFFFFFFFF  }
0xa5: {  	s26 =	simm.s32 $execute0_lowered;
	[smem:$0x3FD2] =	sst s25  }
0xa6: {  	s4 =	sshll.u32 s26, $0x1;
	_ =	strace $0x80000046;
	[dreg:$0x1] =	wrdreg $0xFFFFFFFF  }
0xa7: {  	s28 =	simm.s32 $_size_execute0_lowered;
	s2 =	sadd.s32 s2, s4;
	[dreg:$0x0] =	wrdreg $0x0  }
0xa8: {  	s4 =	sshll.u32 s28, $0x1;
	[dreg:$0x2] =	wrdreg s2  }
0xa9: {  	[dreg:$0x3] =	wrdreg s4  }
0xaa: {  	[dreg:$0x4] =	wrdreg $0xC0  }
0xab: {  	_ =	task [dreg:s6], $0x5FFFF  }
0xac: {  	[dreg:$0x1] =	wrdreg $0xFFFFFFFF  }
0xad: {  	[dreg:$0x0] =	wrdreg $0x60  }
0xae: {  	[dreg:$0x2] =	wrdreg s24  }
0xaf: {  	[dreg:$0x3] =	wrdreg $0x9  }
0xb0: {  	_ =	task.clear_ibuf [dreg:s6], $0x4FFFF;
	_ =	strace $0x90000046  }
0xb1: {  	s29 =	simm.s32 $0x9;
	_ =	strace $0x80000048  }
0xb2: {  	_ =	swait.ge [sflag:s29], $0x1  }
0xb3: {  	[sflag:s29] =	ssyncadd.s32 $0xFFFFFFFF  }
0xb4: {  	_ =	strace $0x90000048  }
0xb5: {  	_ =	sfence  }
0xb6: {  	s30 =	sld [smem:$0x0];
	_ =	sdelay $0x2  }
0xb7: {  	s31 =	sshll.u32 s1, $0xD;
	s1 =	sshrl.u32 s1, $0x2  }
0xb8: {  	s3 =	sand.u32 $0x4000, s31;
	s1 =	sadd.s32 s1, s30  }
0xb9: {  	s0 =	sor.u32 s3, s0;
	s1 =	sshll.u32 s1, $0x11  }
0xba: {  	s0 =	sor.u32 s1, s0  }
0xbb: {  	s0 =	sadd.s32 $0x8F2B, s0  }
0xbc: {  	[sflag:s0] =	ssyncadd.remote.s32 $0x1  }
0xbd: {  	_ =	sfence.sel $0xFFFF  }
0xbe: {  	[dreg:$0x0] =	wrdreg $0xFFFFFFFF;
	(pc) =	sbr.abs _section_cstart, $3  }
0xbf: {  	[dreg:$0x1] =	wrdreg $0xFFFFFFFF  }
0xc0: {  	_ =	task.clear_ibuf [dreg:s6], $0x2FFFF;
	_ =	strace $0x9FFFFFFF  }
0xc1: {  	(tm) =	ssettm $0x7FFFFFFF  }
tec
execute0_lowered:
.L_overlay_start_1:
0x0: {  	(tag) =	ssettag $0x1  }
0x1: {  	s0 =	srdreg.scid;
	s1 =	stileid.u32  }
0x2: {  	s0 =	sand.u32 $0x1, s0;
	s1 =	sshll.u32 s1, $0x1  }
0x3: {  	s1 =	sor.u32 s0, s1  }
0x4: {  	s3 =	rddreg [dreg:$0x0];
	s2 =	simm.s32 $0x0;
	s4 =	smul.u32 $0x30, s1  }
0x5: {  	s18 =	simm.s32 $0x180;
	s28 =	simm.s32 $0x8180;
	s5 =	smul.u32 $0xC000, s1  }
0x6: {  	s19 =	simm.s32 $0x2;
	[smem:$0x7FF] =	sst s2;
	s6 =	sadd.s32 $0x2200, s3  }
0x7: {  	_ =	strace $0x80000047;
	s4 =	sadd.s32 s4, s3;
	s5 =	sadd.s32 s6, s5  }
0x8: {  	s1 =	smul.u32 $0x60000, s1;
	s4 =	sadd.s32 $0xC00, s4;
	[dreg:$0xe] =	wrdreg s5  }
0x9: {  	s20 =	simm.s32 $0x3;
	s21 =	sadd.s32 $0x1000, s5;
	[dreg:$0x2] =	wrdreg s4  }
0xa: {  	s1 =	sshrl.u32 s1, $0x3;
	s22 =	sadd.s32 $0x2000, s5;
	[dreg:$0x3] =	wrdreg s21  }
0xb: {  	s23 =	sadd.s32 $0x3000, s5;
	s1 =	sadd.s32 s6, s1;
	[dreg:$0x4] =	wrdreg s22  }
0xc: {  	s0 =	ssub.s32 $0x2, s0;
	[dreg:$0x5] =	wrdreg s23;
	s24 =	sadd.s32 $0x4000, s1  }
0xd: {  	s29 =	sshrl.u32 s0, $0x1;
	s25 =	sadd.s32 $0x5000, s1;
	[dreg:$0x6] =	wrdreg s24  }
0xe: {  	s0 =	ssub.s32 s0, s29;
	s26 =	sadd.s32 $0x6000, s1;
	[dreg:$0x7] =	wrdreg s25  }
0xf: {  	s5 =	sadd.s32 $0x1300, s3;
	s30 =	sadd.s32 $0x7000, s1;
	[dreg:$0x8] =	wrdreg s26  }
0x10: {  	s6 =	sadd.s32 $0x1400, s3;
	s31 =	sadd.s32 $0x8000, s1;
	[dreg:$0x9] =	wrdreg s30  }
0x11: {  	s4 =	sadd.s32 $0x1200, s3;
	s7 =	sadd.s32 $0x9000, s1;
	[dreg:$0xa] =	wrdreg s31  }
0x12: {  	v2 =	vlaneseq.u32;
	s8 =	sadd.s32 $0xA000, s1;
	s1 =	sadd.s32 $0xB000, s1;
	[dreg:$0xb] =	wrdreg s7  }
0x13: {  	vm0 =	vmmov $0xffff;
	v1 =	vshrl.u32 v2, $0x3;
	s21 =	simm.s32 $0x4;
	s7 =	sadd.s32 $0x1500, s3;
	[dreg:$0xc] =	wrdreg s8  }
0x14: {  	v0 =	vand.u32 $0x7, v2;
	v2 =	vor.u32 $0x8, v2;
	v1 =	vmul.u32 $0x8, v1;
	[dreg:$0xd] =	wrdreg s1;
	s8 =	smax.u32 s0, $0x1;
	s26 =	simm.s32 $0x1  }
.LBB2_1:
0x15: {  	s22 =	rddreg [dreg:$0x2];
	s17 =	simm.s32 $0x5  }
0x16: {  	[tilespmem:s2], [sflag:$0x5] =	stream.linear.gather [hbm4b:s22+s2], $0x180, $0x38;
	[tilespmem:$0x10180] =	vst v63  }
0x17: {  	_ =	swait.ge [sflag:s17], $0x180  }
0x18: {  	[sflag:s17] =	ssyncset.done $0x0  }
0x19: {  	[sflag:s17] =	ssyncadd.s32 $0xFFFFFE80  }
0x1a: {  	v3 =	vld [tilespmem:$0x0];
	_ =	sdelay $0x4  }
0x1b: {  	v4 =	vshll.u32 v3, $0x3  }
0x1c: {  	v3 =	vand.u32 $0x7, v3;
	v4 =	vand.u32 $0xFFFFFFC0, v4  }
0x1d: {  	v3 =	vor.u32 v3, v4  }
0x1e: {  	v4 =	vperm.xlane v3, v0;
	_ =	sdelay $0x1  }
0x1f: {  	v4 =	vadd.s32 v1, v4;
	_ =	sdelay $0x4  }
0x20: {  	[tilespmem:s18], [sflag:$0x1] =	stream.indirect_vreg.gather [hbm4b:s4+s2], $0x80, v4, vm0, $0xb8;
	[tilespmem:$0x10180] =	vst v63  }
0x21: {  	s0 =	simm.s32 $0x980;
	v3 =	vperm.xlane v3, v2  }
0x22: {  	[tilespmem:s0], [sflag:$0x1] =	stream.indirect_vreg.gather [hbm4b:s5+s2], $0x80, v4, vm0, $0xb8;
	[tilespmem:$0x10180] =	vst v63  }
0x23: {  	s22 =	simm.s32 $0x1180;
	v3 =	vadd.s32 v1, v3  }
0x24: {  	[tilespmem:s22], [sflag:$0x1] =	stream.indirect_vreg.gather [hbm4b:s6+s2], $0x80, v4, vm0, $0xb8;
	[tilespmem:$0x10180] =	vst v63  }
0x25: {  	s23 =	simm.s32 $0x1980  }
0x26: {  	[tilespmem:s23], [sflag:$0x1] =	stream.indirect_vreg.gather [hbm4b:s7+s2], $0x80, v4, vm0, $0xb8;
	[tilespmem:$0x10180] =	vst v63  }
0x27: {  	s24 =	simm.s32 $0x2180  }
0x28: {  	[tilespmem:s24], [sflag:$0x1] =	stream.indirect_vreg.gather [hbm4b:s4+s2], $0x80, v3, vm0, $0xb8;
	[tilespmem:$0x10180] =	vst v63  }
0x29: {  	s25 =	simm.s32 $0x2980  }
0x2a: {  	[tilespmem:s25], [sflag:$0x1] =	stream.indirect_vreg.gather [hbm4b:s5+s2], $0x80, v3, vm0, $0xb8;
	[tilespmem:$0x10180] =	vst v63  }
0x2b: {  	s29 =	simm.s32 $0x3180  }
0x2c: {  	[tilespmem:s29], [sflag:$0x1] =	stream.indirect_vreg.gather [hbm4b:s6+s2], $0x80, v3, vm0, $0xb8;
	[tilespmem:$0x10180] =	vst v63  }
0x2d: {  	s30 =	simm.s32 $0x3980  }
0x2e: {  	[tilespmem:s30], [sflag:$0x1] =	stream.indirect_vreg.gather [hbm4b:s7+s2], $0x80, v3, vm0, $0xb8;
	[tilespmem:$0x10180] =	vst v63  }
0x2f: {  	v3 =	vld [tilespmem:$0x10];
	_ =	sdelay $0x4  }
0x30: {  	v41 =	vshll.u32 v3, $0x3  }
0x31: {  	v3 =	vand.u32 $0x7, v3;
	v4 =	vand.u32 $0xFFFFFFC0, v41  }
0x32: {  	v3 =	vor.u32 v3, v4  }
0x33: {  	v4 =	vperm.xlane v3, v0;
	_ =	sdelay $0x1  }
0x34: {  	v4 =	vadd.s32 v1, v4;
	_ =	sdelay $0x3  }
0x35: {  	s31 =	simm.s32 $0x4180  }
0x36: {  	[tilespmem:s31], [sflag:$0x1] =	stream.indirect_vreg.gather [hbm4b:s4+s2], $0x80, v4, vm0, $0xb8;
	[tilespmem:$0x10180] =	vst v63  }
0x37: {  	s9 =	simm.s32 $0x4980;
	v3 =	vperm.xlane v3, v2  }
0x38: {  	[tilespmem:s9], [sflag:$0x1] =	stream.indirect_vreg.gather [hbm4b:s5+s2], $0x80, v4, vm0, $0xb8;
	[tilespmem:$0x10180] =	vst v63  }
0x39: {  	s11 =	simm.s32 $0x5180;
	v3 =	vadd.s32 v1, v3  }
0x3a: {  	[tilespmem:s11], [sflag:$0x1] =	stream.indirect_vreg.gather [hbm4b:s6+s2], $0x80, v4, vm0, $0xb8;
	[tilespmem:$0x10180] =	vst v63  }
0x3b: {  	s12 =	simm.s32 $0x5980  }
0x3c: {  	[tilespmem:s12], [sflag:$0x1] =	stream.indirect_vreg.gather [hbm4b:s7+s2], $0x80, v4, vm0, $0xb8;
	[tilespmem:$0x10180] =	vst v63  }
0x3d: {  	s13 =	simm.s32 $0x6180  }
0x3e: {  	[tilespmem:s13], [sflag:$0x1] =	stream.indirect_vreg.gather [hbm4b:s4+s2], $0x80, v3, vm0, $0xb8;
	[tilespmem:$0x10180] =	vst v63  }
0x3f: {  	s16 =	simm.s32 $0x6980  }
0x40: {  	[tilespmem:s16], [sflag:$0x1] =	stream.indirect_vreg.gather [hbm4b:s5+s2], $0x80, v3, vm0, $0xb8;
	[tilespmem:$0x10180] =	vst v63  }
0x41: {  	s17 =	simm.s32 $0x7180  }
0x42: {  	[tilespmem:s17], [sflag:$0x1] =	stream.indirect_vreg.gather [hbm4b:s6+s2], $0x80, v3, vm0, $0xb8;
	[tilespmem:$0x10180] =	vst v63  }
0x43: {  	s22 =	simm.s32 $0x7980  }
0x44: {  	[tilespmem:s22], [sflag:$0x1] =	stream.indirect_vreg.gather [hbm4b:s7+s2], $0x80, v3, vm0, $0xb8;
	[tilespmem:$0x10180] =	vst v63  }
0x45: {  	_ =	swait.ge [sflag:s26], $0x8000  }
0x46: {  	[sflag:s26] =	ssyncset.done $0x0  }
0x47: {  	s23 =	rddreg [dreg:$0xe];
	[sflag:s26] =	ssyncadd.s32 $0xFFFF8000  }
0x48: {  	[hbm4b:s23+s2] =	stream.linear.scatter [tilespmem:s18], [sflag:$0x3], $0x8000, $0x38;
	[tilespmem:$0x10180] =	vst v63  }
0x49: {  	v3 =	vld [tilespmem:$0x20];
	_ =	sdelay $0x4  }
0x4a: {  	v42 =	vshll.u32 v3, $0x3  }
0x4b: {  	v3 =	vand.u32 $0x7, v3;
	v4 =	vand.u32 $0xFFFFFFC0, v42  }
0x4c: {  	v3 =	vor.u32 v3, v4  }
0x4d: {  	v4 =	vperm.xlane v3, v0;
	_ =	sdelay $0x1  }
0x4e: {  	v4 =	vadd.s32 v1, v4;
	_ =	sdelay $0x4  }
0x4f: {  	[tilespmem:s28], [sflag:$0x2] =	stream.indirect_vreg.gather [hbm4b:s4+s2], $0x80, v4, vm0, $0xb8;
	[tilespmem:$0x10180] =	vst v63  }
0x50: {  	s24 =	simm.s32 $0x8980;
	v3 =	vperm.xlane v3, v2  }
0x51: {  	[tilespmem:s24], [sflag:$0x2] =	stream.indirect_vreg.gather [hbm4b:s5+s2], $0x80, v4, vm0, $0xb8;
	[tilespmem:$0x10180] =	vst v63  }
0x52: {  	s25 =	simm.s32 $0x9180;
	v3 =	vadd.s32 v1, v3  }
0x53: {  	[tilespmem:s25], [sflag:$0x2] =	stream.indirect_vreg.gather [hbm4b:s6+s2], $0x80, v4, vm0, $0xb8;
	[tilespmem:$0x10180] =	vst v63  }
0x54: {  	s30 =	simm.s32 $0x9980  }
0x55: {  	[tilespmem:s30], [sflag:$0x2] =	stream.indirect_vreg.gather [hbm4b:s7+s2], $0x80, v4, vm0, $0xb8;
	[tilespmem:$0x10180] =	vst v63  }
0x56: {  	s0 =	simm.s32 $0xA180  }
0x57: {  	[tilespmem:s0], [sflag:$0x2] =	stream.indirect_vreg.gather [hbm4b:s4+s2], $0x80, v3, vm0, $0xb8;
	[tilespmem:$0x10180] =	vst v63  }
0x58: {  	s9 =	simm.s32 $0xA980  }
0x59: {  	[tilespmem:s9], [sflag:$0x2] =	stream.indirect_vreg.gather [hbm4b:s5+s2], $0x80, v3, vm0, $0xb8;
	[tilespmem:$0x10180] =	vst v63  }
0x5a: {  	s11 =	simm.s32 $0xB180  }
0x5b: {  	[tilespmem:s11], [sflag:$0x2] =	stream.indirect_vreg.gather [hbm4b:s6+s2], $0x80, v3, vm0, $0xb8;
	[tilespmem:$0x10180] =	vst v63  }
0x5c: {  	s12 =	simm.s32 $0xB980  }
0x5d: {  	[tilespmem:s12], [sflag:$0x2] =	stream.indirect_vreg.gather [hbm4b:s7+s2], $0x80, v3, vm0, $0xb8;
	[tilespmem:$0x10180] =	vst v63  }
0x5e: {  	v3 =	vld [tilespmem:$0x30];
	_ =	sdelay $0x4  }
0x5f: {  	v43 =	vshll.u32 v3, $0x3  }
0x60: {  	v3 =	vand.u32 $0x7, v3;
	v4 =	vand.u32 $0xFFFFFFC0, v43  }
0x61: {  	v3 =	vor.u32 v3, v4  }
0x62: {  	v4 =	vperm.xlane v3, v0;
	_ =	sdelay $0x1  }
0x63: {  	v4 =	vadd.s32 v1, v4;
	_ =	sdelay $0x3  }
0x64: {  	s13 =	simm.s32 $0xC180  }
0x65: {  	[tilespmem:s13], [sflag:$0x2] =	stream.indirect_vreg.gather [hbm4b:s4+s2], $0x80, v4, vm0, $0xb8;
	[tilespmem:$0x10180] =	vst v63  }
0x66: {  	s16 =	simm.s32 $0xC980;
	v3 =	vperm.xlane v3, v2  }
0x67: {  	[tilespmem:s16], [sflag:$0x2] =	stream.indirect_vreg.gather [hbm4b:s5+s2], $0x80, v4, vm0, $0xb8;
	[tilespmem:$0x10180] =	vst v63  }
0x68: {  	s17 =	simm.s32 $0xD180;
	v3 =	vadd.s32 v1, v3  }
0x69: {  	[tilespmem:s17], [sflag:$0x2] =	stream.indirect_vreg.gather [hbm4b:s6+s2], $0x80, v4, vm0, $0xb8;
	[tilespmem:$0x10180] =	vst v63  }
0x6a: {  	s30 =	simm.s32 $0xD980  }
0x6b: {  	[tilespmem:s30], [sflag:$0x2] =	stream.indirect_vreg.gather [hbm4b:s7+s2], $0x80, v4, vm0, $0xb8;
	[tilespmem:$0x10180] =	vst v63  }
0x6c: {  	s0 =	simm.s32 $0xE180  }
0x6d: {  	[tilespmem:s0], [sflag:$0x2] =	stream.indirect_vreg.gather [hbm4b:s4+s2], $0x80, v3, vm0, $0xb8;
	[tilespmem:$0x10180] =	vst v63  }
0x6e: {  	s11 =	simm.s32 $0xE980  }
0x6f: {  	[tilespmem:s11], [sflag:$0x2] =	stream.indirect_vreg.gather [hbm4b:s5+s2], $0x80, v3, vm0, $0xb8;
	[tilespmem:$0x10180] =	vst v63  }
0x70: {  	s16 =	simm.s32 $0xF180  }
0x71: {  	[tilespmem:s16], [sflag:$0x2] =	stream.indirect_vreg.gather [hbm4b:s6+s2], $0x80, v3, vm0, $0xb8;
	[tilespmem:$0x10180] =	vst v63  }
0x72: {  	s17 =	simm.s32 $0xF980  }
0x73: {  	[tilespmem:s17], [sflag:$0x2] =	stream.indirect_vreg.gather [hbm4b:s7+s2], $0x80, v3, vm0, $0xb8;
	[tilespmem:$0x10180] =	vst v63  }
0x74: {  	_ =	swait.ge [sflag:s19], $0x8000  }
0x75: {  	[sflag:s19] =	ssyncset.done $0x0  }
0x76: {  	s0 =	rddreg [dreg:$0x3];
	[sflag:s19] =	ssyncadd.s32 $0xFFFF8000  }
0x77: {  	[hbm4b:s0+s2] =	stream.linear.scatter [tilespmem:s28], [sflag:$0x4], $0x8000, $0x38;
	[tilespmem:$0x10180] =	vst v63  }
0x78: {  	_ =	swait.ge [sflag:s20], $0x8000  }
0x79: {  	[sflag:s20] =	ssyncset.done $0x0  }
0x7a: {  	[sflag:s20] =	ssyncadd.s32 $0xFFFF8000  }
0x7b: {  	v3 =	vld [tilespmem:$0x40];
	_ =	sdelay $0x4  }
0x7c: {  	v44 =	vshll.u32 v3, $0x3  }
0x7d: {  	v3 =	vand.u32 $0x7, v3;
	v4 =	vand.u32 $0xFFFFFFC0, v44  }
0x7e: {  	v3 =	vor.u32 v3, v4  }
0x7f: {  	v4 =	vperm.xlane v3, v0;
	_ =	sdelay $0x1  }
0x80: {  	v4 =	vadd.s32 v1, v4;
	_ =	sdelay $0x4  }
0x81: {  	[tilespmem:s18], [sflag:$0x1] =	stream.indirect_vreg.gather [hbm4b:s4+s2], $0x80, v4, vm0, $0xb8;
	[tilespmem:$0x10180] =	vst v63  }
0x82: {  	s10 =	simm.s32 $0x980;
	v3 =	vperm.xlane v3, v2  }
0x83: {  	[tilespmem:s10], [sflag:$0x1] =	stream.indirect_vreg.gather [hbm4b:s5+s2], $0x80, v4, vm0, $0xb8;
	[tilespmem:$0x10180] =	vst v63  }
0x84: {  	s1 =	simm.s32 $0x1180;
	v3 =	vadd.s32 v1, v3  }
0x85: {  	[tilespmem:s1], [sflag:$0x1] =	stream.indirect_vreg.gather [hbm4b:s6+s2], $0x80, v4, vm0, $0xb8;
	[tilespmem:$0x10180] =	vst v63  }
0x86: {  	s10 =	simm.s32 $0x1980  }
0x87: {  	[tilespmem:s10], [sflag:$0x1] =	stream.indirect_vreg.gather [hbm4b:s7+s2], $0x80, v4, vm0, $0xb8;
	[tilespmem:$0x10180] =	vst v63  }
0x88: {  	s3 =	simm.s32 $0x2180  }
0x89: {  	[tilespmem:s3], [sflag:$0x1] =	stream.indirect_vreg.gather [hbm4b:s4+s2], $0x80, v3, vm0, $0xb8;
	[tilespmem:$0x10180] =	vst v63  }
0x8a: {  	s14 =	simm.s32 $0x2980  }
0x8b: {  	[tilespmem:s14], [sflag:$0x1] =	stream.indirect_vreg.gather [hbm4b:s5+s2], $0x80, v3, vm0, $0xb8;
	[tilespmem:$0x10180] =	vst v63  }
0x8c: {  	s15 =	simm.s32 $0x3180  }
0x8d: {  	[tilespmem:s15], [sflag:$0x1] =	stream.indirect_vreg.gather [hbm4b:s6+s2], $0x80, v3, vm0, $0xb8;
	[tilespmem:$0x10180] =	vst v63  }
0x8e: {  	s29 =	simm.s32 $0x3980  }
0x8f: {  	[tilespmem:s29], [sflag:$0x1] =	stream.indirect_vreg.gather [hbm4b:s7+s2], $0x80, v3, vm0, $0xb8;
	[tilespmem:$0x10180] =	vst v63  }
0x90: {  	v3 =	vld [tilespmem:$0x50];
	_ =	sdelay $0x4  }
0x91: {  	v45 =	vshll.u32 v3, $0x3  }
0x92: {  	v3 =	vand.u32 $0x7, v3;
	v4 =	vand.u32 $0xFFFFFFC0, v45  }
0x93: {  	v3 =	vor.u32 v3, v4  }
0x94: {  	v4 =	vperm.xlane v3, v0;
	_ =	sdelay $0x1  }
0x95: {  	v4 =	vadd.s32 v1, v4;
	_ =	sdelay $0x3  }
0x96: {  	s31 =	simm.s32 $0x4180  }
0x97: {  	[tilespmem:s31], [sflag:$0x1] =	stream.indirect_vreg.gather [hbm4b:s4+s2], $0x80, v4, vm0, $0xb8;
	[tilespmem:$0x10180] =	vst v63  }
0x98: {  	s16 =	simm.s32 $0x4980;
	v3 =	vperm.xlane v3, v2  }
0x99: {  	[tilespmem:s16], [sflag:$0x1] =	stream.indirect_vreg.gather [hbm4b:s5+s2], $0x80, v4, vm0, $0xb8;
	[tilespmem:$0x10180] =	vst v63  }
0x9a: {  	s3 =	simm.s32 $0x5180;
	v3 =	vadd.s32 v1, v3  }
0x9b: {  	[tilespmem:s3], [sflag:$0x1] =	stream.indirect_vreg.gather [hbm4b:s6+s2], $0x80, v4, vm0, $0xb8;
	[tilespmem:$0x10180] =	vst v63  }
0x9c: {  	s29 =	simm.s32 $0x5980  }
0x9d: {  	[tilespmem:s29], [sflag:$0x1] =	stream.indirect_vreg.gather [hbm4b:s7+s2], $0x80, v4, vm0, $0xb8;
	[tilespmem:$0x10180] =	vst v63  }
0x9e: {  	s31 =	simm.s32 $0x6180  }
0x9f: {  	[tilespmem:s31], [sflag:$0x1] =	stream.indirect_vreg.gather [hbm4b:s4+s2], $0x80, v3, vm0, $0xb8;
	[tilespmem:$0x10180] =	vst v63  }
0xa0: {  	s14 =	simm.s32 $0x6980  }
0xa1: {  	[tilespmem:s14], [sflag:$0x1] =	stream.indirect_vreg.gather [hbm4b:s5+s2], $0x80, v3, vm0, $0xb8;
	[tilespmem:$0x10180] =	vst v63  }
0xa2: {  	s15 =	simm.s32 $0x7180  }
0xa3: {  	[tilespmem:s15], [sflag:$0x1] =	stream.indirect_vreg.gather [hbm4b:s6+s2], $0x80, v3, vm0, $0xb8;
	[tilespmem:$0x10180] =	vst v63  }
0xa4: {  	s17 =	simm.s32 $0x7980  }
0xa5: {  	[tilespmem:s17], [sflag:$0x1] =	stream.indirect_vreg.gather [hbm4b:s7+s2], $0x80, v3, vm0, $0xb8;
	[tilespmem:$0x10180] =	vst v63  }
0xa6: {  	_ =	swait.ge [sflag:s26], $0x8000  }
0xa7: {  	[sflag:s26] =	ssyncset.done $0x0  }
0xa8: {  	s1 =	rddreg [dreg:$0x4];
	[sflag:s26] =	ssyncadd.s32 $0xFFFF8000  }
0xa9: {  	[hbm4b:s1+s2] =	stream.linear.scatter [tilespmem:s18], [sflag:$0x3], $0x8000, $0x38;
	[tilespmem:$0x10180] =	vst v63  }
0xaa: {  	_ =	swait.ge [sflag:s21], $0x8000  }
0xab: {  	[sflag:s21] =	ssyncset.done $0x0  }
0xac: {  	[sflag:s21] =	ssyncadd.s32 $0xFFFF8000  }
0xad: {  	v3 =	vld [tilespmem:$0x60];
	_ =	sdelay $0x4  }
0xae: {  	v46 =	vshll.u32 v3, $0x3  }
0xaf: {  	v3 =	vand.u32 $0x7, v3;
	v4 =	vand.u32 $0xFFFFFFC0, v46  }
0xb0: {  	v3 =	vor.u32 v3, v4  }
0xb1: {  	v4 =	vperm.xlane v3, v0;
	_ =	sdelay $0x1  }
0xb2: {  	v4 =	vadd.s32 v1, v4;
	_ =	sdelay $0x4  }
0xb3: {  	[tilespmem:s28], [sflag:$0x2] =	stream.indirect_vreg.gather [hbm4b:s4+s2], $0x80, v4, vm0, $0xb8;
	[tilespmem:$0x10180] =	vst v63  }
0xb4: {  	s1 =	simm.s32 $0x8980;
	v3 =	vperm.xlane v3, v2  }
0xb5: {  	[tilespmem:s1], [sflag:$0x2] =	stream.indirect_vreg.gather [hbm4b:s5+s2], $0x80, v4, vm0, $0xb8;
	[tilespmem:$0x10180] =	vst v63  }
0xb6: {  	s0 =	simm.s32 $0x9180;
	v3 =	vadd.s32 v1, v3  }
0xb7: {  	[tilespmem:s0], [sflag:$0x2] =	stream.indirect_vreg.gather [hbm4b:s6+s2], $0x80, v4, vm0, $0xb8;
	[tilespmem:$0x10180] =	vst v63  }
0xb8: {  	s22 =	simm.s32 $0x9980  }
0xb9: {  	[tilespmem:s22], [sflag:$0x2] =	stream.indirect_vreg.gather [hbm4b:s7+s2], $0x80, v4, vm0, $0xb8;
	[tilespmem:$0x10180] =	vst v63  }
0xba: {  	s23 =	simm.s32 $0xA180  }
0xbb: {  	[tilespmem:s23], [sflag:$0x2] =	stream.indirect_vreg.gather [hbm4b:s4+s2], $0x80, v3, vm0, $0xb8;
	[tilespmem:$0x10180] =	vst v63  }
0xbc: {  	s24 =	simm.s32 $0xA980  }
0xbd: {  	[tilespmem:s24], [sflag:$0x2] =	stream.indirect_vreg.gather [hbm4b:s5+s2], $0x80, v3, vm0, $0xb8;
	[tilespmem:$0x10180] =	vst v63  }
0xbe: {  	s25 =	simm.s32 $0xB180  }
0xbf: {  	[tilespmem:s25], [sflag:$0x2] =	stream.indirect_vreg.gather [hbm4b:s6+s2], $0x80, v3, vm0, $0xb8;
	[tilespmem:$0x10180] =	vst v63  }
0xc0: {  	s12 =	simm.s32 $0xB980  }
0xc1: {  	[tilespmem:s12], [sflag:$0x2] =	stream.indirect_vreg.gather [hbm4b:s7+s2], $0x80, v3, vm0, $0xb8;
	[tilespmem:$0x10180] =	vst v63  }
0xc2: {  	v3 =	vld [tilespmem:$0x70];
	_ =	sdelay $0x4  }
0xc3: {  	v47 =	vshll.u32 v3, $0x3  }
0xc4: {  	v3 =	vand.u32 $0x7, v3;
	v4 =	vand.u32 $0xFFFFFFC0, v47  }
0xc5: {  	v3 =	vor.u32 v3, v4  }
0xc6: {  	v4 =	vperm.xlane v3, v0;
	_ =	sdelay $0x1  }
0xc7: {  	v4 =	vadd.s32 v1, v4;
	_ =	sdelay $0x3  }
0xc8: {  	s13 =	simm.s32 $0xC180  }
0xc9: {  	[tilespmem:s13], [sflag:$0x2] =	stream.indirect_vreg.gather [hbm4b:s4+s2], $0x80, v4, vm0, $0xb8;
	[tilespmem:$0x10180] =	vst v63  }
0xca: {  	s9 =	simm.s32 $0xC980;
	v3 =	vperm.xlane v3, v2  }
0xcb: {  	[tilespmem:s9], [sflag:$0x2] =	stream.indirect_vreg.gather [hbm4b:s5+s2], $0x80, v4, vm0, $0xb8;
	[tilespmem:$0x10180] =	vst v63  }
0xcc: {  	s12 =	simm.s32 $0xD180;
	v3 =	vadd.s32 v1, v3  }
0xcd: {  	[tilespmem:s12], [sflag:$0x2] =	stream.indirect_vreg.gather [hbm4b:s6+s2], $0x80, v4, vm0, $0xb8;
	[tilespmem:$0x10180] =	vst v63  }
0xce: {  	s13 =	simm.s32 $0xD980  }
0xcf: {  	[tilespmem:s13], [sflag:$0x2] =	stream.indirect_vreg.gather [hbm4b:s7+s2], $0x80, v4, vm0, $0xb8;
	[tilespmem:$0x10180] =	vst v63  }
0xd0: {  	s22 =	simm.s32 $0xE180  }
0xd1: {  	[tilespmem:s22], [sflag:$0x2] =	stream.indirect_vreg.gather [hbm4b:s4+s2], $0x80, v3, vm0, $0xb8;
	[tilespmem:$0x10180] =	vst v63  }
0xd2: {  	s30 =	simm.s32 $0xE980  }
0xd3: {  	[tilespmem:s30], [sflag:$0x2] =	stream.indirect_vreg.gather [hbm4b:s5+s2], $0x80, v3, vm0, $0xb8;
	[tilespmem:$0x10180] =	vst v63  }
0xd4: {  	s22 =	simm.s32 $0xF180  }
0xd5: {  	[tilespmem:s22], [sflag:$0x2] =	stream.indirect_vreg.gather [hbm4b:s6+s2], $0x80, v3, vm0, $0xb8;
	[tilespmem:$0x10180] =	vst v63  }
0xd6: {  	s11 =	simm.s32 $0xF980  }
0xd7: {  	[tilespmem:s11], [sflag:$0x2] =	stream.indirect_vreg.gather [hbm4b:s7+s2], $0x80, v3, vm0, $0xb8;
	[tilespmem:$0x10180] =	vst v63  }
0xd8: {  	_ =	swait.ge [sflag:s19], $0x8000  }
0xd9: {  	[sflag:s19] =	ssyncset.done $0x0  }
0xda: {  	s22 =	rddreg [dreg:$0x5];
	[sflag:s19] =	ssyncadd.s32 $0xFFFF8000  }
0xdb: {  	[hbm4b:s22+s2] =	stream.linear.scatter [tilespmem:s28], [sflag:$0x4], $0x8000, $0x38;
	[tilespmem:$0x10180] =	vst v63  }
0xdc: {  	_ =	swait.ge [sflag:s20], $0x8000  }
0xdd: {  	[sflag:s20] =	ssyncset.done $0x0  }
0xde: {  	[sflag:s20] =	ssyncadd.s32 $0xFFFF8000  }
0xdf: {  	v3 =	vld [tilespmem:$0x80];
	_ =	sdelay $0x4  }
0xe0: {  	v48 =	vshll.u32 v3, $0x3  }
0xe1: {  	v3 =	vand.u32 $0x7, v3;
	v4 =	vand.u32 $0xFFFFFFC0, v48  }
0xe2: {  	v3 =	vor.u32 v3, v4  }
0xe3: {  	v4 =	vperm.xlane v3, v0;
	_ =	sdelay $0x1  }
0xe4: {  	v4 =	vadd.s32 v1, v4;
	_ =	sdelay $0x4  }
0xe5: {  	[tilespmem:s18], [sflag:$0x1] =	stream.indirect_vreg.gather [hbm4b:s4+s2], $0x80, v4, vm0, $0xb8;
	[tilespmem:$0x10180] =	vst v63  }
0xe6: {  	s22 =	simm.s32 $0x980;
	v3 =	vperm.xlane v3, v2  }
0xe7: {  	[tilespmem:s22], [sflag:$0x1] =	stream.indirect_vreg.gather [hbm4b:s5+s2], $0x80, v4, vm0, $0xb8;
	[tilespmem:$0x10180] =	vst v63  }
0xe8: {  	v3 =	vadd.s32 v1, v3;
	s22 =	simm.s32 $0x1180  }
0xe9: {  	[tilespmem:s22], [sflag:$0x1] =	stream.indirect_vreg.gather [hbm4b:s6+s2], $0x80, v4, vm0, $0xb8;
	[tilespmem:$0x10180] =	vst v63  }
0xea: {  	_ = 	snop  }
0xeb: {  	[tilespmem:s10], [sflag:$0x1] =	stream.indirect_vreg.gather [hbm4b:s7+s2], $0x80, v4, vm0, $0xb8;
	[tilespmem:$0x10180] =	vst v63  }
0xec: {  	s22 =	simm.s32 $0x2180  }
0xed: {  	[tilespmem:s22], [sflag:$0x1] =	stream.indirect_vreg.gather [hbm4b:s4+s2], $0x80, v3, vm0, $0xb8;
	[tilespmem:$0x10180] =	vst v63  }
0xee: {  	s22 =	simm.s32 $0x2980  }
0xef: {  	[tilespmem:s22], [sflag:$0x1] =	stream.indirect_vreg.gather [hbm4b:s5+s2], $0x80, v3, vm0, $0xb8;
	[tilespmem:$0x10180] =	vst v63  }
0xf0: {  	s22 =	simm.s32 $0x3180  }
0xf1: {  	[tilespmem:s22], [sflag:$0x1] =	stream.indirect_vreg.gather [hbm4b:s6+s2], $0x80, v3, vm0, $0xb8;
	[tilespmem:$0x10180] =	vst v63  }
0xf2: {  	s22 =	simm.s32 $0x3980  }
0xf3: {  	[tilespmem:s22], [sflag:$0x1] =	stream.indirect_vreg.gather [hbm4b:s7+s2], $0x80, v3, vm0, $0xb8;
	[tilespmem:$0x10180] =	vst v63  }
0xf4: {  	v3 =	vld [tilespmem:$0x90];
	_ =	sdelay $0x4  }
0xf5: {  	v49 =	vshll.u32 v3, $0x3  }
0xf6: {  	v3 =	vand.u32 $0x7, v3;
	v4 =	vand.u32 $0xFFFFFFC0, v49  }
0xf7: {  	v3 =	vor.u32 v3, v4  }
0xf8: {  	v4 =	vperm.xlane v3, v0;
	_ =	sdelay $0x1  }
0xf9: {  	v4 =	vadd.s32 v1, v4;
	_ =	sdelay $0x3  }
0xfa: {  	s22 =	simm.s32 $0x4180  }
0xfb: {  	[tilespmem:s22], [sflag:$0x1] =	stream.indirect_vreg.gather [hbm4b:s4+s2], $0x80, v4, vm0, $0xb8;
	[tilespmem:$0x10180] =	vst v63  }
0xfc: {  	v3 =	vperm.xlane v3, v2  }
0xfd: {  	[tilespmem:s16], [sflag:$0x1] =	stream.indirect_vreg.gather [hbm4b:s5+s2], $0x80, v4, vm0, $0xb8;
	[tilespmem:$0x10180] =	vst v63  }
0xfe: {  	v3 =	vadd.s32 v1, v3  }
0xff: {  	[tilespmem:s3], [sflag:$0x1] =	stream.indirect_vreg.gather [hbm4b:s6+s2], $0x80, v4, vm0, $0xb8;
	[tilespmem:$0x10180] =	vst v63  }
0x100: {  	_ = 	snop  }
0x101: {  	[tilespmem:s29], [sflag:$0x1] =	stream.indirect_vreg.gather [hbm4b:s7+s2], $0x80, v4, vm0, $0xb8;
	[tilespmem:$0x10180] =	vst v63  }
0x102: {  	_ = 	snop  }
0x103: {  	[tilespmem:s31], [sflag:$0x1] =	stream.indirect_vreg.gather [hbm4b:s4+s2], $0x80, v3, vm0, $0xb8;
	[tilespmem:$0x10180] =	vst v63  }
0x104: {  	_ = 	snop  }
0x105: {  	[tilespmem:s14], [sflag:$0x1] =	stream.indirect_vreg.gather [hbm4b:s5+s2], $0x80, v3, vm0, $0xb8;
	[tilespmem:$0x10180] =	vst v63  }
0x106: {  	_ = 	snop  }
0x107: {  	[tilespmem:s15], [sflag:$0x1] =	stream.indirect_vreg.gather [hbm4b:s6+s2], $0x80, v3, vm0, $0xb8;
	[tilespmem:$0x10180] =	vst v63  }
0x108: {  	_ = 	snop  }
0x109: {  	[tilespmem:s17], [sflag:$0x1] =	stream.indirect_vreg.gather [hbm4b:s7+s2], $0x80, v3, vm0, $0xb8;
	[tilespmem:$0x10180] =	vst v63  }
0x10a: {  	_ =	swait.ge [sflag:s26], $0x8000  }
0x10b: {  	[sflag:s26] =	ssyncset.done $0x0  }
0x10c: {  	s14 =	rddreg [dreg:$0x6];
	[sflag:s26] =	ssyncadd.s32 $0xFFFF8000  }
0x10d: {  	[hbm4b:s14+s2] =	stream.linear.scatter [tilespmem:s18], [sflag:$0x3], $0x8000, $0x38;
	[tilespmem:$0x10180] =	vst v63  }
0x10e: {  	_ =	swait.ge [sflag:s21], $0x8000  }
0x10f: {  	[sflag:s21] =	ssyncset.done $0x0  }
0x110: {  	[sflag:s21] =	ssyncadd.s32 $0xFFFF8000  }
0x111: {  	v3 =	vld [tilespmem:$0xA0];
	_ =	sdelay $0x4  }
0x112: {  	v50 =	vshll.u32 v3, $0x3  }
0x113: {  	v3 =	vand.u32 $0x7, v3;
	v4 =	vand.u32 $0xFFFFFFC0, v50  }
0x114: {  	v3 =	vor.u32 v3, v4  }
0x115: {  	v4 =	vperm.xlane v3, v0;
	_ =	sdelay $0x1  }
0x116: {  	v4 =	vadd.s32 v1, v4;
	_ =	sdelay $0x4  }
0x117: {  	[tilespmem:s28], [sflag:$0x2] =	stream.indirect_vreg.gather [hbm4b:s4+s2], $0x80, v4, vm0, $0xb8;
	[tilespmem:$0x10180] =	vst v63  }
0x118: {  	v3 =	vperm.xlane v3, v2  }
0x119: {  	[tilespmem:s1], [sflag:$0x2] =	stream.indirect_vreg.gather [hbm4b:s5+s2], $0x80, v4, vm0, $0xb8;
	[tilespmem:$0x10180] =	vst v63  }
0x11a: {  	v3 =	vadd.s32 v1, v3  }
0x11b: {  	[tilespmem:s0], [sflag:$0x2] =	stream.indirect_vreg.gather [hbm4b:s6+s2], $0x80, v4, vm0, $0xb8;
	[tilespmem:$0x10180] =	vst v63  }
0x11c: {  	s22 =	simm.s32 $0x9980  }
0x11d: {  	[tilespmem:s22], [sflag:$0x2] =	stream.indirect_vreg.gather [hbm4b:s7+s2], $0x80, v4, vm0, $0xb8;
	[tilespmem:$0x10180] =	vst v63  }
0x11e: {  	s23 =	simm.s32 $0xA180  }
0x11f: {  	[tilespmem:s23], [sflag:$0x2] =	stream.indirect_vreg.gather [hbm4b:s4+s2], $0x80, v3, vm0, $0xb8;
	[tilespmem:$0x10180] =	vst v63  }
0x120: {  	s24 =	simm.s32 $0xA980  }
0x121: {  	[tilespmem:s24], [sflag:$0x2] =	stream.indirect_vreg.gather [hbm4b:s5+s2], $0x80, v3, vm0, $0xb8;
	[tilespmem:$0x10180] =	vst v63  }
0x122: {  	s25 =	simm.s32 $0xB180  }
0x123: {  	[tilespmem:s25], [sflag:$0x2] =	stream.indirect_vreg.gather [hbm4b:s6+s2], $0x80, v3, vm0, $0xb8;
	[tilespmem:$0x10180] =	vst v63  }
0x124: {  	s25 =	simm.s32 $0xB980  }
0x125: {  	[tilespmem:s25], [sflag:$0x2] =	stream.indirect_vreg.gather [hbm4b:s7+s2], $0x80, v3, vm0, $0xb8;
	[tilespmem:$0x10180] =	vst v63  }
0x126: {  	v3 =	vld [tilespmem:$0xB0];
	_ =	sdelay $0x4  }
0x127: {  	v51 =	vshll.u32 v3, $0x3  }
0x128: {  	v3 =	vand.u32 $0x7, v3;
	v4 =	vand.u32 $0xFFFFFFC0, v51  }
0x129: {  	v3 =	vor.u32 v3, v4  }
0x12a: {  	v4 =	vperm.xlane v3, v0;
	_ =	sdelay $0x1  }
0x12b: {  	v4 =	vadd.s32 v1, v4;
	_ =	sdelay $0x3  }
0x12c: {  	s25 =	simm.s32 $0xC180  }
0x12d: {  	[tilespmem:s25], [sflag:$0x2] =	stream.indirect_vreg.gather [hbm4b:s4+s2], $0x80, v4, vm0, $0xb8;
	[tilespmem:$0x10180] =	vst v63  }
0x12e: {  	v3 =	vperm.xlane v3, v2;
	s25 =	simm.s32 $0xC980  }
0x12f: {  	[tilespmem:s25], [sflag:$0x2] =	stream.indirect_vreg.gather [hbm4b:s5+s2], $0x80, v4, vm0, $0xb8;
	[tilespmem:$0x10180] =	vst v63  }
0x130: {  	s9 =	simm.s32 $0xD180;
	v3 =	vadd.s32 v1, v3  }
0x131: {  	[tilespmem:s9], [sflag:$0x2] =	stream.indirect_vreg.gather [hbm4b:s6+s2], $0x80, v4, vm0, $0xb8;
	[tilespmem:$0x10180] =	vst v63  }
0x132: {  	s12 =	simm.s32 $0xD980  }
0x133: {  	[tilespmem:s12], [sflag:$0x2] =	stream.indirect_vreg.gather [hbm4b:s7+s2], $0x80, v4, vm0, $0xb8;
	[tilespmem:$0x10180] =	vst v63  }
0x134: {  	s13 =	simm.s32 $0xE180  }
0x135: {  	[tilespmem:s13], [sflag:$0x2] =	stream.indirect_vreg.gather [hbm4b:s4+s2], $0x80, v3, vm0, $0xb8;
	[tilespmem:$0x10180] =	vst v63  }
0x136: {  	s30 =	simm.s32 $0xE980  }
0x137: {  	[tilespmem:s30], [sflag:$0x2] =	stream.indirect_vreg.gather [hbm4b:s5+s2], $0x80, v3, vm0, $0xb8;
	[tilespmem:$0x10180] =	vst v63  }
0x138: {  	s30 =	simm.s32 $0xF180  }
0x139: {  	[tilespmem:s30], [sflag:$0x2] =	stream.indirect_vreg.gather [hbm4b:s6+s2], $0x80, v3, vm0, $0xb8;
	[tilespmem:$0x10180] =	vst v63  }
0x13a: {  	s11 =	simm.s32 $0xF980  }
0x13b: {  	[tilespmem:s11], [sflag:$0x2] =	stream.indirect_vreg.gather [hbm4b:s7+s2], $0x80, v3, vm0, $0xb8;
	[tilespmem:$0x10180] =	vst v63  }
0x13c: {  	_ =	swait.ge [sflag:s19], $0x8000  }
0x13d: {  	[sflag:s19] =	ssyncset.done $0x0  }
0x13e: {  	s22 =	rddreg [dreg:$0x7];
	[sflag:s19] =	ssyncadd.s32 $0xFFFF8000  }
0x13f: {  	[hbm4b:s22+s2] =	stream.linear.scatter [tilespmem:s28], [sflag:$0x4], $0x8000, $0x38;
	[tilespmem:$0x10180] =	vst v63  }
0x140: {  	_ =	swait.ge [sflag:s20], $0x8000  }
0x141: {  	[sflag:s20] =	ssyncset.done $0x0  }
0x142: {  	[sflag:s20] =	ssyncadd.s32 $0xFFFF8000  }
0x143: {  	v3 =	vld [tilespmem:$0xC0];
	_ =	sdelay $0x4  }
0x144: {  	v52 =	vshll.u32 v3, $0x3  }
0x145: {  	v3 =	vand.u32 $0x7, v3;
	v4 =	vand.u32 $0xFFFFFFC0, v52  }
0x146: {  	v3 =	vor.u32 v3, v4  }
0x147: {  	v4 =	vperm.xlane v3, v0;
	_ =	sdelay $0x1  }
0x148: {  	v4 =	vadd.s32 v1, v4;
	_ =	sdelay $0x4  }
0x149: {  	[tilespmem:s18], [sflag:$0x1] =	stream.indirect_vreg.gather [hbm4b:s4+s2], $0x80, v4, vm0, $0xb8;
	[tilespmem:$0x10180] =	vst v63  }
0x14a: {  	s22 =	simm.s32 $0x980;
	v3 =	vperm.xlane v3, v2  }
0x14b: {  	[tilespmem:s22], [sflag:$0x1] =	stream.indirect_vreg.gather [hbm4b:s5+s2], $0x80, v4, vm0, $0xb8;
	[tilespmem:$0x10180] =	vst v63  }
0x14c: {  	v3 =	vadd.s32 v1, v3;
	s22 =	simm.s32 $0x1180  }
0x14d: {  	[tilespmem:s22], [sflag:$0x1] =	stream.indirect_vreg.gather [hbm4b:s6+s2], $0x80, v4, vm0, $0xb8;
	[tilespmem:$0x10180] =	vst v63  }
0x14e: {  	s10 =	simm.s32 $0x1980  }
0x14f: {  	[tilespmem:s10], [sflag:$0x1] =	stream.indirect_vreg.gather [hbm4b:s7+s2], $0x80, v4, vm0, $0xb8;
	[tilespmem:$0x10180] =	vst v63  }
0x150: {  	s22 =	simm.s32 $0x2180  }
0x151: {  	[tilespmem:s22], [sflag:$0x1] =	stream.indirect_vreg.gather [hbm4b:s4+s2], $0x80, v3, vm0, $0xb8;
	[tilespmem:$0x10180] =	vst v63  }
0x152: {  	s22 =	simm.s32 $0x2980  }
0x153: {  	[tilespmem:s22], [sflag:$0x1] =	stream.indirect_vreg.gather [hbm4b:s5+s2], $0x80, v3, vm0, $0xb8;
	[tilespmem:$0x10180] =	vst v63  }
0x154: {  	s22 =	simm.s32 $0x3180  }
0x155: {  	[tilespmem:s22], [sflag:$0x1] =	stream.indirect_vreg.gather [hbm4b:s6+s2], $0x80, v3, vm0, $0xb8;
	[tilespmem:$0x10180] =	vst v63  }
0x156: {  	s22 =	simm.s32 $0x3980  }
0x157: {  	[tilespmem:s22], [sflag:$0x1] =	stream.indirect_vreg.gather [hbm4b:s7+s2], $0x80, v3, vm0, $0xb8;
	[tilespmem:$0x10180] =	vst v63  }
0x158: {  	v3 =	vld [tilespmem:$0xD0];
	_ =	sdelay $0x4  }
0x159: {  	v53 =	vshll.u32 v3, $0x3  }
0x15a: {  	v3 =	vand.u32 $0x7, v3;
	v4 =	vand.u32 $0xFFFFFFC0, v53  }
0x15b: {  	v3 =	vor.u32 v3, v4  }
0x15c: {  	v4 =	vperm.xlane v3, v0;
	_ =	sdelay $0x1  }
0x15d: {  	v4 =	vadd.s32 v1, v4;
	_ =	sdelay $0x3  }
0x15e: {  	s22 =	simm.s32 $0x4180  }
0x15f: {  	[tilespmem:s22], [sflag:$0x1] =	stream.indirect_vreg.gather [hbm4b:s4+s2], $0x80, v4, vm0, $0xb8;
	[tilespmem:$0x10180] =	vst v63  }
0x160: {  	v3 =	vperm.xlane v3, v2;
	s22 =	simm.s32 $0x4980  }
0x161: {  	[tilespmem:s22], [sflag:$0x1] =	stream.indirect_vreg.gather [hbm4b:s5+s2], $0x80, v4, vm0, $0xb8;
	[tilespmem:$0x10180] =	vst v63  }
0x162: {  	s3 =	simm.s32 $0x5180;
	v3 =	vadd.s32 v1, v3  }
0x163: {  	[tilespmem:s3], [sflag:$0x1] =	stream.indirect_vreg.gather [hbm4b:s6+s2], $0x80, v4, vm0, $0xb8;
	[tilespmem:$0x10180] =	vst v63  }
0x164: {  	s16 =	simm.s32 $0x5980  }
0x165: {  	[tilespmem:s16], [sflag:$0x1] =	stream.indirect_vreg.gather [hbm4b:s7+s2], $0x80, v4, vm0, $0xb8;
	[tilespmem:$0x10180] =	vst v63  }
0x166: {  	s31 =	simm.s32 $0x6180  }
0x167: {  	[tilespmem:s31], [sflag:$0x1] =	stream.indirect_vreg.gather [hbm4b:s4+s2], $0x80, v3, vm0, $0xb8;
	[tilespmem:$0x10180] =	vst v63  }
0x168: {  	s29 =	simm.s32 $0x6980  }
0x169: {  	[tilespmem:s29], [sflag:$0x1] =	stream.indirect_vreg.gather [hbm4b:s5+s2], $0x80, v3, vm0, $0xb8;
	[tilespmem:$0x10180] =	vst v63  }
0x16a: {  	s15 =	simm.s32 $0x7180  }
0x16b: {  	[tilespmem:s15], [sflag:$0x1] =	stream.indirect_vreg.gather [hbm4b:s6+s2], $0x80, v3, vm0, $0xb8;
	[tilespmem:$0x10180] =	vst v63  }
0x16c: {  	s17 =	simm.s32 $0x7980  }
0x16d: {  	[tilespmem:s17], [sflag:$0x1] =	stream.indirect_vreg.gather [hbm4b:s7+s2], $0x80, v3, vm0, $0xb8;
	[tilespmem:$0x10180] =	vst v63  }
0x16e: {  	_ =	swait.ge [sflag:s26], $0x8000  }
0x16f: {  	[sflag:s26] =	ssyncset.done $0x0  }
0x170: {  	s15 =	rddreg [dreg:$0x8];
	[sflag:s26] =	ssyncadd.s32 $0xFFFF8000  }
0x171: {  	[hbm4b:s15+s2] =	stream.linear.scatter [tilespmem:s18], [sflag:$0x3], $0x8000, $0x38;
	[tilespmem:$0x10180] =	vst v63  }
0x172: {  	_ =	swait.ge [sflag:s21], $0x8000  }
0x173: {  	[sflag:s21] =	ssyncset.done $0x0  }
0x174: {  	[sflag:s21] =	ssyncadd.s32 $0xFFFF8000  }
0x175: {  	v3 =	vld [tilespmem:$0xE0];
	_ =	sdelay $0x4  }
0x176: {  	v54 =	vshll.u32 v3, $0x3  }
0x177: {  	v3 =	vand.u32 $0x7, v3;
	v4 =	vand.u32 $0xFFFFFFC0, v54  }
0x178: {  	v3 =	vor.u32 v3, v4  }
0x179: {  	v4 =	vperm.xlane v3, v0;
	_ =	sdelay $0x1  }
0x17a: {  	v4 =	vadd.s32 v1, v4;
	_ =	sdelay $0x4  }
0x17b: {  	[tilespmem:s28], [sflag:$0x2] =	stream.indirect_vreg.gather [hbm4b:s4+s2], $0x80, v4, vm0, $0xb8;
	[tilespmem:$0x10180] =	vst v63  }
0x17c: {  	s1 =	simm.s32 $0x8980;
	v3 =	vperm.xlane v3, v2  }
0x17d: {  	[tilespmem:s1], [sflag:$0x2] =	stream.indirect_vreg.gather [hbm4b:s5+s2], $0x80, v4, vm0, $0xb8;
	[tilespmem:$0x10180] =	vst v63  }
0x17e: {  	s0 =	simm.s32 $0x9180;
	v3 =	vadd.s32 v1, v3  }
0x17f: {  	[tilespmem:s0], [sflag:$0x2] =	stream.indirect_vreg.gather [hbm4b:s6+s2], $0x80, v4, vm0, $0xb8;
	[tilespmem:$0x10180] =	vst v63  }
0x180: {  	s17 =	simm.s32 $0x9980  }
0x181: {  	[tilespmem:s17], [sflag:$0x2] =	stream.indirect_vreg.gather [hbm4b:s7+s2], $0x80, v4, vm0, $0xb8;
	[tilespmem:$0x10180] =	vst v63  }
0x182: {  	s14 =	simm.s32 $0xA180  }
0x183: {  	[tilespmem:s14], [sflag:$0x2] =	stream.indirect_vreg.gather [hbm4b:s4+s2], $0x80, v3, vm0, $0xb8;
	[tilespmem:$0x10180] =	vst v63  }
0x184: {  	s23 =	simm.s32 $0xA980  }
0x185: {  	[tilespmem:s23], [sflag:$0x2] =	stream.indirect_vreg.gather [hbm4b:s5+s2], $0x80, v3, vm0, $0xb8;
	[tilespmem:$0x10180] =	vst v63  }
0x186: {  	s24 =	simm.s32 $0xB180  }
0x187: {  	[tilespmem:s24], [sflag:$0x2] =	stream.indirect_vreg.gather [hbm4b:s6+s2], $0x80, v3, vm0, $0xb8;
	[tilespmem:$0x10180] =	vst v63  }
0x188: {  	s22 =	simm.s32 $0xB980  }
0x189: {  	[tilespmem:s22], [sflag:$0x2] =	stream.indirect_vreg.gather [hbm4b:s7+s2], $0x80, v3, vm0, $0xb8;
	[tilespmem:$0x10180] =	vst v63  }
0x18a: {  	v3 =	vld [tilespmem:$0xF0];
	_ =	sdelay $0x4  }
0x18b: {  	v55 =	vshll.u32 v3, $0x3  }
0x18c: {  	v3 =	vand.u32 $0x7, v3;
	v4 =	vand.u32 $0xFFFFFFC0, v55  }
0x18d: {  	v3 =	vor.u32 v3, v4  }
0x18e: {  	v4 =	vperm.xlane v3, v0;
	_ =	sdelay $0x1  }
0x18f: {  	v4 =	vadd.s32 v1, v4;
	_ =	sdelay $0x3  }
0x190: {  	s24 =	simm.s32 $0xC180  }
0x191: {  	[tilespmem:s24], [sflag:$0x2] =	stream.indirect_vreg.gather [hbm4b:s4+s2], $0x80, v4, vm0, $0xb8;
	[tilespmem:$0x10180] =	vst v63  }
0x192: {  	s31 =	simm.s32 $0xC980;
	v3 =	vperm.xlane v3, v2  }
0x193: {  	[tilespmem:s31], [sflag:$0x2] =	stream.indirect_vreg.gather [hbm4b:s5+s2], $0x80, v4, vm0, $0xb8;
	[tilespmem:$0x10180] =	vst v63  }
0x194: {  	s9 =	simm.s32 $0xD180;
	v3 =	vadd.s32 v1, v3  }
0x195: {  	[tilespmem:s9], [sflag:$0x2] =	stream.indirect_vreg.gather [hbm4b:s6+s2], $0x80, v4, vm0, $0xb8;
	[tilespmem:$0x10180] =	vst v63  }
0x196: {  	s12 =	simm.s32 $0xD980  }
0x197: {  	[tilespmem:s12], [sflag:$0x2] =	stream.indirect_vreg.gather [hbm4b:s7+s2], $0x80, v4, vm0, $0xb8;
	[tilespmem:$0x10180] =	vst v63  }
0x198: {  	s13 =	simm.s32 $0xE180  }
0x199: {  	[tilespmem:s13], [sflag:$0x2] =	stream.indirect_vreg.gather [hbm4b:s4+s2], $0x80, v3, vm0, $0xb8;
	[tilespmem:$0x10180] =	vst v63  }
0x19a: {  	s25 =	simm.s32 $0xE980  }
0x19b: {  	[tilespmem:s25], [sflag:$0x2] =	stream.indirect_vreg.gather [hbm4b:s5+s2], $0x80, v3, vm0, $0xb8;
	[tilespmem:$0x10180] =	vst v63  }
0x19c: {  	s30 =	simm.s32 $0xF180  }
0x19d: {  	[tilespmem:s30], [sflag:$0x2] =	stream.indirect_vreg.gather [hbm4b:s6+s2], $0x80, v3, vm0, $0xb8;
	[tilespmem:$0x10180] =	vst v63  }
0x19e: {  	s11 =	simm.s32 $0xF980  }
0x19f: {  	[tilespmem:s11], [sflag:$0x2] =	stream.indirect_vreg.gather [hbm4b:s7+s2], $0x80, v3, vm0, $0xb8;
	[tilespmem:$0x10180] =	vst v63  }
0x1a0: {  	_ =	swait.ge [sflag:s19], $0x8000  }
0x1a1: {  	[sflag:s19] =	ssyncset.done $0x0  }
0x1a2: {  	s17 =	rddreg [dreg:$0x9];
	[sflag:s19] =	ssyncadd.s32 $0xFFFF8000  }
0x1a3: {  	[hbm4b:s17+s2] =	stream.linear.scatter [tilespmem:s28], [sflag:$0x4], $0x8000, $0x38;
	[tilespmem:$0x10180] =	vst v63  }
0x1a4: {  	_ =	swait.ge [sflag:s20], $0x8000  }
0x1a5: {  	[sflag:s20] =	ssyncset.done $0x0  }
0x1a6: {  	[sflag:s20] =	ssyncadd.s32 $0xFFFF8000  }
0x1a7: {  	v3 =	vld [tilespmem:$0x100];
	_ =	sdelay $0x4  }
0x1a8: {  	v56 =	vshll.u32 v3, $0x3  }
0x1a9: {  	v3 =	vand.u32 $0x7, v3;
	v4 =	vand.u32 $0xFFFFFFC0, v56  }
0x1aa: {  	v3 =	vor.u32 v3, v4  }
0x1ab: {  	v4 =	vperm.xlane v3, v0;
	_ =	sdelay $0x1  }
0x1ac: {  	v4 =	vadd.s32 v1, v4;
	_ =	sdelay $0x4  }
0x1ad: {  	[tilespmem:s18], [sflag:$0x1] =	stream.indirect_vreg.gather [hbm4b:s4+s2], $0x80, v4, vm0, $0xb8;
	[tilespmem:$0x10180] =	vst v63  }
0x1ae: {  	s22 =	simm.s32 $0x980;
	v3 =	vperm.xlane v3, v2  }
0x1af: {  	[tilespmem:s22], [sflag:$0x1] =	stream.indirect_vreg.gather [hbm4b:s5+s2], $0x80, v4, vm0, $0xb8;
	[tilespmem:$0x10180] =	vst v63  }
0x1b0: {  	s25 =	simm.s32 $0x1180;
	v3 =	vadd.s32 v1, v3  }
0x1b1: {  	[tilespmem:s25], [sflag:$0x1] =	stream.indirect_vreg.gather [hbm4b:s6+s2], $0x80, v4, vm0, $0xb8;
	[tilespmem:$0x10180] =	vst v63  }
0x1b2: {  	s30 =	simm.s32 $0x1980  }
0x1b3: {  	[tilespmem:s30], [sflag:$0x1] =	stream.indirect_vreg.gather [hbm4b:s7+s2], $0x80, v4, vm0, $0xb8;
	[tilespmem:$0x10180] =	vst v63  }
0x1b4: {  	s11 =	simm.s32 $0x2180  }
0x1b5: {  	[tilespmem:s11], [sflag:$0x1] =	stream.indirect_vreg.gather [hbm4b:s4+s2], $0x80, v3, vm0, $0xb8;
	[tilespmem:$0x10180] =	vst v63  }
0x1b6: {  	s13 =	simm.s32 $0x2980  }
0x1b7: {  	[tilespmem:s13], [sflag:$0x1] =	stream.indirect_vreg.gather [hbm4b:s5+s2], $0x80, v3, vm0, $0xb8;
	[tilespmem:$0x10180] =	vst v63  }
0x1b8: {  	s17 =	simm.s32 $0x3180  }
0x1b9: {  	[tilespmem:s17], [sflag:$0x1] =	stream.indirect_vreg.gather [hbm4b:s6+s2], $0x80, v3, vm0, $0xb8;
	[tilespmem:$0x10180] =	vst v63  }
0x1ba: {  	s22 =	simm.s32 $0x3980  }
0x1bb: {  	[tilespmem:s22], [sflag:$0x1] =	stream.indirect_vreg.gather [hbm4b:s7+s2], $0x80, v3, vm0, $0xb8;
	[tilespmem:$0x10180] =	vst v63  }
0x1bc: {  	v3 =	vld [tilespmem:$0x110];
	_ =	sdelay $0x4  }
0x1bd: {  	v57 =	vshll.u32 v3, $0x3  }
0x1be: {  	v3 =	vand.u32 $0x7, v3;
	v4 =	vand.u32 $0xFFFFFFC0, v57  }
0x1bf: {  	v3 =	vor.u32 v3, v4  }
0x1c0: {  	v4 =	vperm.xlane v3, v0;
	_ =	sdelay $0x1  }
0x1c1: {  	v4 =	vadd.s32 v1, v4;
	_ =	sdelay $0x3  }
0x1c2: {  	s25 =	simm.s32 $0x4180  }
0x1c3: {  	[tilespmem:s25], [sflag:$0x1] =	stream.indirect_vreg.gather [hbm4b:s4+s2], $0x80, v4, vm0, $0xb8;
	[tilespmem:$0x10180] =	vst v63  }
0x1c4: {  	s30 =	simm.s32 $0x4980;
	v3 =	vperm.xlane v3, v2  }
0x1c5: {  	[tilespmem:s30], [sflag:$0x1] =	stream.indirect_vreg.gather [hbm4b:s5+s2], $0x80, v4, vm0, $0xb8;
	[tilespmem:$0x10180] =	vst v63  }
0x1c6: {  	s10 =	simm.s32 $0x5180;
	v3 =	vadd.s32 v1, v3  }
0x1c7: {  	[tilespmem:s10], [sflag:$0x1] =	stream.indirect_vreg.gather [hbm4b:s6+s2], $0x80, v4, vm0, $0xb8;
	[tilespmem:$0x10180] =	vst v63  }
0x1c8: {  	s3 =	simm.s32 $0x5980  }
0x1c9: {  	[tilespmem:s3], [sflag:$0x1] =	stream.indirect_vreg.gather [hbm4b:s7+s2], $0x80, v4, vm0, $0xb8;
	[tilespmem:$0x10180] =	vst v63  }
0x1ca: {  	s10 =	simm.s32 $0x6180  }
0x1cb: {  	[tilespmem:s10], [sflag:$0x1] =	stream.indirect_vreg.gather [hbm4b:s4+s2], $0x80, v3, vm0, $0xb8;
	[tilespmem:$0x10180] =	vst v63  }
0x1cc: {  	s11 =	simm.s32 $0x6980  }
0x1cd: {  	[tilespmem:s11], [sflag:$0x1] =	stream.indirect_vreg.gather [hbm4b:s5+s2], $0x80, v3, vm0, $0xb8;
	[tilespmem:$0x10180] =	vst v63  }
0x1ce: {  	s29 =	simm.s32 $0x7180  }
0x1cf: {  	[tilespmem:s29], [sflag:$0x1] =	stream.indirect_vreg.gather [hbm4b:s6+s2], $0x80, v3, vm0, $0xb8;
	[tilespmem:$0x10180] =	vst v63  }
0x1d0: {  	s16 =	simm.s32 $0x7980  }
0x1d1: {  	[tilespmem:s16], [sflag:$0x1] =	stream.indirect_vreg.gather [hbm4b:s7+s2], $0x80, v3, vm0, $0xb8;
	[tilespmem:$0x10180] =	vst v63  }
0x1d2: {  	_ =	swait.ge [sflag:s26], $0x8000  }
0x1d3: {  	[sflag:s26] =	ssyncset.done $0x0  }
0x1d4: {  	s16 =	rddreg [dreg:$0xa];
	[sflag:s26] =	ssyncadd.s32 $0xFFFF8000  }
0x1d5: {  	[hbm4b:s16+s2] =	stream.linear.scatter [tilespmem:s18], [sflag:$0x3], $0x8000, $0x38;
	[tilespmem:$0x10180] =	vst v63  }
0x1d6: {  	_ =	swait.ge [sflag:s21], $0x8000  }
0x1d7: {  	[sflag:s21] =	ssyncset.done $0x0  }
0x1d8: {  	[sflag:s21] =	ssyncadd.s32 $0xFFFF8000  }
0x1d9: {  	v3 =	vld [tilespmem:$0x120];
	_ =	sdelay $0x4  }
0x1da: {  	v58 =	vshll.u32 v3, $0x3  }
0x1db: {  	v3 =	vand.u32 $0x7, v3;
	v4 =	vand.u32 $0xFFFFFFC0, v58  }
0x1dc: {  	v3 =	vor.u32 v3, v4  }
0x1dd: {  	v4 =	vperm.xlane v3, v0;
	_ =	sdelay $0x1  }
0x1de: {  	v4 =	vadd.s32 v1, v4;
	_ =	sdelay $0x4  }
0x1df: {  	[tilespmem:s28], [sflag:$0x2] =	stream.indirect_vreg.gather [hbm4b:s4+s2], $0x80, v4, vm0, $0xb8;
	[tilespmem:$0x10180] =	vst v63  }
0x1e0: {  	s1 =	simm.s32 $0x8980;
	v3 =	vperm.xlane v3, v2  }
0x1e1: {  	[tilespmem:s1], [sflag:$0x2] =	stream.indirect_vreg.gather [hbm4b:s5+s2], $0x80, v4, vm0, $0xb8;
	[tilespmem:$0x10180] =	vst v63  }
0x1e2: {  	s0 =	simm.s32 $0x9180;
	v3 =	vadd.s32 v1, v3  }
0x1e3: {  	[tilespmem:s0], [sflag:$0x2] =	stream.indirect_vreg.gather [hbm4b:s6+s2], $0x80, v4, vm0, $0xb8;
	[tilespmem:$0x10180] =	vst v63  }
0x1e4: {  	s22 =	simm.s32 $0x9980  }
0x1e5: {  	[tilespmem:s22], [sflag:$0x2] =	stream.indirect_vreg.gather [hbm4b:s7+s2], $0x80, v4, vm0, $0xb8;
	[tilespmem:$0x10180] =	vst v63  }
0x1e6: {  	s14 =	simm.s32 $0xA180  }
0x1e7: {  	[tilespmem:s14], [sflag:$0x2] =	stream.indirect_vreg.gather [hbm4b:s4+s2], $0x80, v3, vm0, $0xb8;
	[tilespmem:$0x10180] =	vst v63  }
0x1e8: {  	s15 =	simm.s32 $0xA980  }
0x1e9: {  	[tilespmem:s15], [sflag:$0x2] =	stream.indirect_vreg.gather [hbm4b:s5+s2], $0x80, v3, vm0, $0xb8;
	[tilespmem:$0x10180] =	vst v63  }
0x1ea: {  	s23 =	simm.s32 $0xB180  }
0x1eb: {  	[tilespmem:s23], [sflag:$0x2] =	stream.indirect_vreg.gather [hbm4b:s6+s2], $0x80, v3, vm0, $0xb8;
	[tilespmem:$0x10180] =	vst v63  }
0x1ec: {  	s29 =	simm.s32 $0xB980  }
0x1ed: {  	[tilespmem:s29], [sflag:$0x2] =	stream.indirect_vreg.gather [hbm4b:s7+s2], $0x80, v3, vm0, $0xb8;
	[tilespmem:$0x10180] =	vst v63  }
0x1ee: {  	v3 =	vld [tilespmem:$0x130];
	_ =	sdelay $0x4  }
0x1ef: {  	v59 =	vshll.u32 v3, $0x3  }
0x1f0: {  	v3 =	vand.u32 $0x7, v3;
	v4 =	vand.u32 $0xFFFFFFC0, v59  }
0x1f1: {  	v3 =	vor.u32 v3, v4  }
0x1f2: {  	v4 =	vperm.xlane v3, v0;
	_ =	sdelay $0x1  }
0x1f3: {  	v4 =	vadd.s32 v1, v4;
	_ =	sdelay $0x3  }
0x1f4: {  	s16 =	simm.s32 $0xC180  }
0x1f5: {  	[tilespmem:s16], [sflag:$0x2] =	stream.indirect_vreg.gather [hbm4b:s4+s2], $0x80, v4, vm0, $0xb8;
	[tilespmem:$0x10180] =	vst v63  }
0x1f6: {  	s22 =	simm.s32 $0xC980;
	v3 =	vperm.xlane v3, v2  }
0x1f7: {  	[tilespmem:s22], [sflag:$0x2] =	stream.indirect_vreg.gather [hbm4b:s5+s2], $0x80, v4, vm0, $0xb8;
	[tilespmem:$0x10180] =	vst v63  }
0x1f8: {  	s24 =	simm.s32 $0xD180;
	v3 =	vadd.s32 v1, v3  }
0x1f9: {  	[tilespmem:s24], [sflag:$0x2] =	stream.indirect_vreg.gather [hbm4b:s6+s2], $0x80, v4, vm0, $0xb8;
	[tilespmem:$0x10180] =	vst v63  }
0x1fa: {  	s31 =	simm.s32 $0xD980  }
0x1fb: {  	[tilespmem:s31], [sflag:$0x2] =	stream.indirect_vreg.gather [hbm4b:s7+s2], $0x80, v4, vm0, $0xb8;
	[tilespmem:$0x10180] =	vst v63  }
0x1fc: {  	s23 =	simm.s32 $0xE180  }
0x1fd: {  	[tilespmem:s23], [sflag:$0x2] =	stream.indirect_vreg.gather [hbm4b:s4+s2], $0x80, v3, vm0, $0xb8;
	[tilespmem:$0x10180] =	vst v63  }
0x1fe: {  	s24 =	simm.s32 $0xE980  }
0x1ff: {  	[tilespmem:s24], [sflag:$0x2] =	stream.indirect_vreg.gather [hbm4b:s5+s2], $0x80, v3, vm0, $0xb8;
	[tilespmem:$0x10180] =	vst v63  }
0x200: {  	s29 =	simm.s32 $0xF180  }
0x201: {  	[tilespmem:s29], [sflag:$0x2] =	stream.indirect_vreg.gather [hbm4b:s6+s2], $0x80, v3, vm0, $0xb8;
	[tilespmem:$0x10180] =	vst v63  }
0x202: {  	s31 =	simm.s32 $0xF980  }
0x203: {  	[tilespmem:s31], [sflag:$0x2] =	stream.indirect_vreg.gather [hbm4b:s7+s2], $0x80, v3, vm0, $0xb8;
	[tilespmem:$0x10180] =	vst v63  }
0x204: {  	_ =	swait.ge [sflag:s19], $0x8000  }
0x205: {  	[sflag:s19] =	ssyncset.done $0x0  }
0x206: {  	s22 =	rddreg [dreg:$0xb];
	[sflag:s19] =	ssyncadd.s32 $0xFFFF8000  }
0x207: {  	[hbm4b:s22+s2] =	stream.linear.scatter [tilespmem:s28], [sflag:$0x4], $0x8000, $0x38;
	[tilespmem:$0x10180] =	vst v63  }
0x208: {  	_ =	swait.ge [sflag:s20], $0x8000  }
0x209: {  	[sflag:s20] =	ssyncset.done $0x0  }
0x20a: {  	[sflag:s20] =	ssyncadd.s32 $0xFFFF8000  }
0x20b: {  	v3 =	vld [tilespmem:$0x140];
	_ =	sdelay $0x4  }
0x20c: {  	v60 =	vshll.u32 v3, $0x3  }
0x20d: {  	v3 =	vand.u32 $0x7, v3;
	v4 =	vand.u32 $0xFFFFFFC0, v60  }
0x20e: {  	v3 =	vor.u32 v3, v4  }
0x20f: {  	v4 =	vperm.xlane v3, v0;
	_ =	sdelay $0x1  }
0x210: {  	v4 =	vadd.s32 v1, v4;
	_ =	sdelay $0x4  }
0x211: {  	[tilespmem:s18], [sflag:$0x1] =	stream.indirect_vreg.gather [hbm4b:s4+s2], $0x80, v4, vm0, $0xb8;
	[tilespmem:$0x10180] =	vst v63  }
0x212: {  	s22 =	simm.s32 $0x980;
	v3 =	vperm.xlane v3, v2  }
0x213: {  	[tilespmem:s22], [sflag:$0x1] =	stream.indirect_vreg.gather [hbm4b:s5+s2], $0x80, v4, vm0, $0xb8;
	[tilespmem:$0x10180] =	vst v63  }
0x214: {  	v3 =	vadd.s32 v1, v3;
	s22 =	simm.s32 $0x1180  }
0x215: {  	[tilespmem:s22], [sflag:$0x1] =	stream.indirect_vreg.gather [hbm4b:s6+s2], $0x80, v4, vm0, $0xb8;
	[tilespmem:$0x10180] =	vst v63  }
0x216: {  	s12 =	simm.s32 $0x1980  }
0x217: {  	[tilespmem:s12], [sflag:$0x1] =	stream.indirect_vreg.gather [hbm4b:s7+s2], $0x80, v4, vm0, $0xb8;
	[tilespmem:$0x10180] =	vst v63  }
0x218: {  	s22 =	simm.s32 $0x2180  }
0x219: {  	[tilespmem:s22], [sflag:$0x1] =	stream.indirect_vreg.gather [hbm4b:s4+s2], $0x80, v3, vm0, $0xb8;
	[tilespmem:$0x10180] =	vst v63  }
0x21a: {  	s22 =	simm.s32 $0x2980  }
0x21b: {  	[tilespmem:s22], [sflag:$0x1] =	stream.indirect_vreg.gather [hbm4b:s5+s2], $0x80, v3, vm0, $0xb8;
	[tilespmem:$0x10180] =	vst v63  }
0x21c: {  	s22 =	simm.s32 $0x3180  }
0x21d: {  	[tilespmem:s22], [sflag:$0x1] =	stream.indirect_vreg.gather [hbm4b:s6+s2], $0x80, v3, vm0, $0xb8;
	[tilespmem:$0x10180] =	vst v63  }
0x21e: {  	s22 =	simm.s32 $0x3980  }
0x21f: {  	[tilespmem:s22], [sflag:$0x1] =	stream.indirect_vreg.gather [hbm4b:s7+s2], $0x80, v3, vm0, $0xb8;
	[tilespmem:$0x10180] =	vst v63  }
0x220: {  	v3 =	vld [tilespmem:$0x150];
	_ =	sdelay $0x4  }
0x221: {  	v61 =	vshll.u32 v3, $0x3  }
0x222: {  	v3 =	vand.u32 $0x7, v3;
	v4 =	vand.u32 $0xFFFFFFC0, v61  }
0x223: {  	v3 =	vor.u32 v3, v4  }
0x224: {  	v4 =	vperm.xlane v3, v0;
	_ =	sdelay $0x1  }
0x225: {  	v4 =	vadd.s32 v1, v4;
	_ =	sdelay $0x3  }
0x226: {  	s22 =	simm.s32 $0x4180  }
0x227: {  	[tilespmem:s22], [sflag:$0x1] =	stream.indirect_vreg.gather [hbm4b:s4+s2], $0x80, v4, vm0, $0xb8;
	[tilespmem:$0x10180] =	vst v63  }
0x228: {  	s13 =	simm.s32 $0x4980;
	v3 =	vperm.xlane v3, v2  }
0x229: {  	[tilespmem:s13], [sflag:$0x1] =	stream.indirect_vreg.gather [hbm4b:s5+s2], $0x80, v4, vm0, $0xb8;
	[tilespmem:$0x10180] =	vst v63  }
0x22a: {  	s9 =	simm.s32 $0x5180;
	v3 =	vadd.s32 v1, v3  }
0x22b: {  	[tilespmem:s9], [sflag:$0x1] =	stream.indirect_vreg.gather [hbm4b:s6+s2], $0x80, v4, vm0, $0xb8;
	[tilespmem:$0x10180] =	vst v63  }
0x22c: {  	s30 =	simm.s32 $0x5980  }
0x22d: {  	[tilespmem:s30], [sflag:$0x1] =	stream.indirect_vreg.gather [hbm4b:s7+s2], $0x80, v4, vm0, $0xb8;
	[tilespmem:$0x10180] =	vst v63  }
0x22e: {  	s12 =	simm.s32 $0x6180  }
0x22f: {  	[tilespmem:s12], [sflag:$0x1] =	stream.indirect_vreg.gather [hbm4b:s4+s2], $0x80, v3, vm0, $0xb8;
	[tilespmem:$0x10180] =	vst v63  }
0x230: {  	s25 =	simm.s32 $0x6980  }
0x231: {  	[tilespmem:s25], [sflag:$0x1] =	stream.indirect_vreg.gather [hbm4b:s5+s2], $0x80, v3, vm0, $0xb8;
	[tilespmem:$0x10180] =	vst v63  }
0x232: {  	s17 =	simm.s32 $0x7180  }
0x233: {  	[tilespmem:s17], [sflag:$0x1] =	stream.indirect_vreg.gather [hbm4b:s6+s2], $0x80, v3, vm0, $0xb8;
	[tilespmem:$0x10180] =	vst v63  }
0x234: {  	s10 =	simm.s32 $0x7980  }
0x235: {  	[tilespmem:s10], [sflag:$0x1] =	stream.indirect_vreg.gather [hbm4b:s7+s2], $0x80, v3, vm0, $0xb8;
	[tilespmem:$0x10180] =	vst v63  }
0x236: {  	_ =	swait.ge [sflag:s26], $0x8000  }
0x237: {  	[sflag:s26] =	ssyncset.done $0x0  }
0x238: {  	s13 =	rddreg [dreg:$0xc];
	[sflag:s26] =	ssyncadd.s32 $0xFFFF8000  }
0x239: {  	[hbm4b:s13+s2] =	stream.linear.scatter [tilespmem:s18], [sflag:$0x3], $0x8000, $0x38;
	[tilespmem:$0x10180] =	vst v63  }
0x23a: {  	_ =	swait.ge [sflag:s21], $0x8000  }
0x23b: {  	[sflag:s21] =	ssyncset.done $0x0  }
0x23c: {  	[sflag:s21] =	ssyncadd.s32 $0xFFFF8000  }
0x23d: {  	v3 =	vld [tilespmem:$0x160];
	_ =	sdelay $0x4  }
0x23e: {  	v62 =	vshll.u32 v3, $0x3  }
0x23f: {  	v3 =	vand.u32 $0x7, v3;
	v4 =	vand.u32 $0xFFFFFFC0, v62  }
0x240: {  	v3 =	vor.u32 v3, v4  }
0x241: {  	v4 =	vperm.xlane v3, v0;
	_ =	sdelay $0x1  }
0x242: {  	v4 =	vadd.s32 v1, v4;
	_ =	sdelay $0x4  }
0x243: {  	[tilespmem:s28], [sflag:$0x2] =	stream.indirect_vreg.gather [hbm4b:s4+s2], $0x80, v4, vm0, $0xb8;
	[tilespmem:$0x10180] =	vst v63  }
0x244: {  	s11 =	simm.s32 $0x8980;
	v3 =	vperm.xlane v3, v2  }
0x245: {  	[tilespmem:s11], [sflag:$0x2] =	stream.indirect_vreg.gather [hbm4b:s5+s2], $0x80, v4, vm0, $0xb8;
	[tilespmem:$0x10180] =	vst v63  }
0x246: {  	s1 =	simm.s32 $0x9180;
	v3 =	vadd.s32 v1, v3  }
0x247: {  	[tilespmem:s1], [sflag:$0x2] =	stream.indirect_vreg.gather [hbm4b:s6+s2], $0x80, v4, vm0, $0xb8;
	[tilespmem:$0x10180] =	vst v63  }
0x248: {  	s17 =	simm.s32 $0x9980  }
0x249: {  	[tilespmem:s17], [sflag:$0x2] =	stream.indirect_vreg.gather [hbm4b:s7+s2], $0x80, v4, vm0, $0xb8;
	[tilespmem:$0x10180] =	vst v63  }
0x24a: {  	s0 =	simm.s32 $0xA180  }
0x24b: {  	[tilespmem:s0], [sflag:$0x2] =	stream.indirect_vreg.gather [hbm4b:s4+s2], $0x80, v3, vm0, $0xb8;
	[tilespmem:$0x10180] =	vst v63  }
0x24c: {  	s3 =	simm.s32 $0xA980  }
0x24d: {  	[tilespmem:s3], [sflag:$0x2] =	stream.indirect_vreg.gather [hbm4b:s5+s2], $0x80, v3, vm0, $0xb8;
	[tilespmem:$0x10180] =	vst v63  }
0x24e: {  	s14 =	simm.s32 $0xB180  }
0x24f: {  	[tilespmem:s14], [sflag:$0x2] =	stream.indirect_vreg.gather [hbm4b:s6+s2], $0x80, v3, vm0, $0xb8;
	[tilespmem:$0x10180] =	vst v63  }
0x250: {  	s22 =	simm.s32 $0xB980  }
0x251: {  	[tilespmem:s22], [sflag:$0x2] =	stream.indirect_vreg.gather [hbm4b:s7+s2], $0x80, v3, vm0, $0xb8;
	[tilespmem:$0x10180] =	vst v63  }
0x252: {  	v3 =	vld [tilespmem:$0x170];
	_ =	sdelay $0x4  }
0x253: {  	v63 =	vshll.u32 v3, $0x3  }
0x254: {  	v3 =	vand.u32 $0x7, v3;
	v4 =	vand.u32 $0xFFFFFFC0, v63  }
0x255: {  	v3 =	vor.u32 v3, v4  }
0x256: {  	v4 =	vperm.xlane v3, v0;
	_ =	sdelay $0x1  }
0x257: {  	v4 =	vadd.s32 v1, v4;
	_ =	sdelay $0x3  }
0x258: {  	s25 =	simm.s32 $0xC180  }
0x259: {  	[tilespmem:s25], [sflag:$0x2] =	stream.indirect_vreg.gather [hbm4b:s4+s2], $0x80, v4, vm0, $0xb8;
	[tilespmem:$0x10180] =	vst v63  }
0x25a: {  	s30 =	simm.s32 $0xC980;
	v3 =	vperm.xlane v3, v2  }
0x25b: {  	[tilespmem:s30], [sflag:$0x2] =	stream.indirect_vreg.gather [hbm4b:s5+s2], $0x80, v4, vm0, $0xb8;
	[tilespmem:$0x10180] =	vst v63  }
0x25c: {  	s15 =	simm.s32 $0xD180;
	v3 =	vadd.s32 v1, v3  }
0x25d: {  	[tilespmem:s15], [sflag:$0x2] =	stream.indirect_vreg.gather [hbm4b:s6+s2], $0x80, v4, vm0, $0xb8;
	[tilespmem:$0x10180] =	vst v63  }
0x25e: {  	s16 =	simm.s32 $0xD980  }
0x25f: {  	[tilespmem:s16], [sflag:$0x2] =	stream.indirect_vreg.gather [hbm4b:s7+s2], $0x80, v4, vm0, $0xb8;
	[tilespmem:$0x10180] =	vst v63  }
0x260: {  	s23 =	simm.s32 $0xE180  }
0x261: {  	[tilespmem:s23], [sflag:$0x2] =	stream.indirect_vreg.gather [hbm4b:s4+s2], $0x80, v3, vm0, $0xb8;
	[tilespmem:$0x10180] =	vst v63  }
0x262: {  	s24 =	simm.s32 $0xE980  }
0x263: {  	[tilespmem:s24], [sflag:$0x2] =	stream.indirect_vreg.gather [hbm4b:s5+s2], $0x80, v3, vm0, $0xb8;
	[tilespmem:$0x10180] =	vst v63  }
0x264: {  	s29 =	simm.s32 $0xF180  }
0x265: {  	[tilespmem:s29], [sflag:$0x2] =	stream.indirect_vreg.gather [hbm4b:s6+s2], $0x80, v3, vm0, $0xb8;
	[tilespmem:$0x10180] =	vst v63  }
0x266: {  	s31 =	simm.s32 $0xF980  }
0x267: {  	[tilespmem:s31], [sflag:$0x2] =	stream.indirect_vreg.gather [hbm4b:s7+s2], $0x80, v3, vm0, $0xb8;
	[tilespmem:$0x10180] =	vst v63  }
0x268: {  	_ =	swait.ge [sflag:s19], $0x8000  }
0x269: {  	[sflag:s19] =	ssyncset.done $0x0  }
0x26a: {  	s31 =	rddreg [dreg:$0xd];
	[sflag:s19] =	ssyncadd.s32 $0xFFFF8000  }
0x26b: {  	[hbm4b:s31+s2] =	stream.linear.scatter [tilespmem:s28], [sflag:$0x4], $0x8000, $0x38;
	[tilespmem:$0x10180] =	vst v63  }
0x26c: {  	p0 =	sne.s32 s8, $0x1;
	_ =	swait.ge [sflag:s20], $0x8000  }
.Ltmp0:
0x26d: {  	[sflag:s20] =	ssyncset.done $0x0;
	(pc) =	sbr.rel @p0 .LBB2_1-.Ltmp0, $4  }
0x26e: {  	[sflag:s20] =	ssyncadd.s32 $0xFFFF8000  }
0x26f: {  	_ =	swait.ge [sflag:s21], $0x8000  }
0x270: {  	[sflag:s21] =	ssyncset.done $0x0  }
0x271: {  	s8 =	sadd.s32 $0xFFFFFFFF, s8;
	[sflag:s21] =	ssyncadd.s32 $0xFFFF8000  }
0x272: {  	_ =	sfence.sel $0x180000  }
0x273: {  	[bflag:$0x0] =	sbarrier.arrive $0xFFFF  }
0x274: {  	_ =	strace $0x90000047  }
0x275: {  	s0 =	stileid.u32;
	[bflag:$0x2] =	sbarrier.arrive $0xFFFF  }
0x276: {  	p0 =	sne.s32 s0, $0x0;
	s0 =	rddreg [dreg:$0x1]  }
0x277: {  	s0 =	sadd.s32 @!p0 $0x100000, s0  }
0x278: {  	[sflag:s0] =	ssyncadd.tile.s32 @!p0 $0x1;
	_ =	shalt  }
.Lfunc_end2:
_tile_overlayer_lowered:
.L_overlay_start_2:
0x279: {  	(tag) =	ssettag $0x2  }
0x27a: {  	s0 =	rddreg [dreg:$0x0];
	s2 =	stileid.u32  }
0x27b: {  	s1 =	rddreg [dreg:$0x1];
	p0 =	sne.s32 s2, $0x0  }
0x27c: {  	s3 =	rddreg [dreg:$0x2];
	[bflag:$0x3] =	sbarrier.arrive $0xFFFF;
	s2 =	simm.s32 @!p0 $0x1C05  }
0x27d: {  	[timem:s3], [sflag:s2] =	dma.local @!p0 [hbm:s0], s1  }
0x27e: {  	s0 =	simm.s32 @!p0 $0x5  }
0x27f: {  	_ =	swait.ge @!p0 [sflag:s0], s1  }
0x280: {  	s1 =	ssub.s32 @!p0 $0x0, s1;
	[sflag:s0] =	ssyncset.done @!p0 $0x0  }
0x281: {  	[sflag:s0] =	ssyncadd.s32 @!p0 s1  }
0x282: {  	[bflag:$0x3] =	sbarrier.arrive $0xFFFF  }
0x283: {  	_ =	shalt  }

</sc_bundles>
